<compile_context>
chip_gen: v7x
topology: tpu7x:2x2x1
jax: 0.10.2.dev20260603
libtpu: 0.0.44.dev20260713+nightly
codegen_flags: <defaults>
</compile_context>

<pallas_src>
import functools
import jax
import jax.numpy as jnp
from jax import lax
from jax.experimental import pallas as pl
from jax.experimental.pallas import tpu as pltpu
from jax.experimental.pallas import tpu_sc as plsc

_NW = 384
_NPAD = _NW * 32
_TB = 8
_RB = 256
_INTERPRET = False


def _sc_gather(adjw, idx0, idx1, x):
    n_tar = idx0.shape[0]
    in_ch = x.shape[1]
    info = plsc.get_sparse_core_info()
    nc, ns = info.num_cores, info.num_subcores
    nworkers = nc * ns
    per_w = n_tar // nworkers
    ch = min(64, per_w)
    n_ch = per_w // ch
    mesh = plsc.VectorSubcoreMesh(core_axis_name="c", subcore_axis_name="s")

    @functools.partial(
        pl.kernel, mesh=mesh,
        out_type=[
            jax.ShapeDtypeStruct((n_tar, _NW), jnp.int32),
            jax.ShapeDtypeStruct((n_tar, in_ch), jnp.float32),
        ],
        scratch_types=[
            pltpu.VMEM((ch,), jnp.int32),
            pltpu.VMEM((ch,), jnp.int32),
            pltpu.VMEM((ch, _NW), jnp.int32),
            pltpu.VMEM((ch, _NW), jnp.int32),
            pltpu.VMEM((ch, in_ch), jnp.float32),
            pltpu.VMEM((ch, in_ch), jnp.float32),
            pltpu.SemaphoreType.DMA,
        ],
    )
    def k(adjw_hbm, idx0_hbm, idx1_hbm, x_hbm, cnw_hbm, xij_hbm,
          ii_v, ij_v, ai_v, aj_v, xi_v, xj_v, sem):
        wid = lax.axis_index("s") * nc + lax.axis_index("c")
        for c in range(n_ch):
            base = wid * per_w + c * ch
            pltpu.sync_copy(idx0_hbm.at[pl.ds(base, ch)], ii_v)
            pltpu.sync_copy(idx1_hbm.at[pl.ds(base, ch)], ij_v)
            pltpu.async_copy(adjw_hbm.at[ii_v], ai_v, sem).wait()
            pltpu.async_copy(adjw_hbm.at[ij_v], aj_v, sem).wait()
            pltpu.async_copy(x_hbm.at[ii_v], xi_v, sem).wait()
            pltpu.async_copy(x_hbm.at[ij_v], xj_v, sem).wait()

            nwv = _NW // 16

            def and_body(t, carry):
                r = t // nwv
                o = (t % nwv) * 16
                ai_v[r, pl.ds(o, 16)] = (ai_v[r, pl.ds(o, 16)]
                                         & aj_v[r, pl.ds(o, 16)])
                return carry

            lax.fori_loop(0, ch * nwv, and_body, 0)

            icv = in_ch // 16

            def mul_body(t, carry):
                r = t // icv
                o = (t % icv) * 16
                xi_v[r, pl.ds(o, 16)] = (xi_v[r, pl.ds(o, 16)]
                                         * xj_v[r, pl.ds(o, 16)])
                return carry

            lax.fori_loop(0, ch * icv, mul_body, 0)

            pltpu.sync_copy(ai_v, cnw_hbm.at[pl.ds(base, ch)])
            pltpu.sync_copy(xi_v, xij_hbm.at[pl.ds(base, ch)])

    return k(adjw, idx0, idx1, x)


def _mlp_body(cnw_ref, xij_ref, xg_ref, beta_ref,
              w1_ref, b1_ref, w2_ref, b2_ref, w3_ref, b3_ref,
              xw1_ref, xb1_ref, xw2_ref, xb2_ref,
              lw1_ref, lb1_ref, lw2_ref, lb2_ref, out_ref):
    f32 = jnp.float32
    w = cnw_ref[...]
    xcn = jnp.zeros((w.shape[0], xg_ref.shape[2]), f32)
    for b in range(32):
        mask = ((w >> b) & 1).astype(f32)
        xcn = xcn + jnp.dot(mask, xg_ref[b],
                            preferred_element_type=f32)
    h = jnp.maximum(jnp.dot(xcn, w1_ref[...], preferred_element_type=f32)
                    + b1_ref[...], 0.0)
    h = jnp.maximum(jnp.dot(h, w2_ref[...], preferred_element_type=f32)
                    + b2_ref[...], 0.0)
    h = jnp.dot(h, w3_ref[...], preferred_element_type=f32) + b3_ref[...]
    xij = xij_ref[...]
    g = jnp.maximum(jnp.dot(xij, xw1_ref[...], preferred_element_type=f32)
                    + xb1_ref[...], 0.0)
    g = jnp.dot(g, xw2_ref[...], preferred_element_type=f32) + xb2_ref[...]
    z = h * beta_ref[0, 0] + g
    z = jnp.maximum(jnp.dot(z, lw1_ref[...], preferred_element_type=f32)
                    + lb1_ref[...], 0.0)
    out_ref[...] = (jnp.dot(z, lw2_ref[...], preferred_element_type=f32)
                    + lb2_ref[...])


def kernel(x, edge_index, tar_ei, beta, xcn_w1, xcn_b1, xcn_w2, xcn_b2,
           xcn_w3, xcn_b3, xij_w1, xij_b1, xij_w2, xij_b2,
           lin_w1, lin_b1, lin_w2, lin_b2):
    n_nodes, in_ch = x.shape
    n_tar = tar_ei.shape[1]
    hid = xcn_w1.shape[1]
    out_ch = lin_w2.shape[1]

    key = edge_index[0] * 16384 + edge_index[1]
    sk = jnp.sort(key)
    first = jnp.concatenate([jnp.ones((1,), jnp.bool_), sk[1:] != sk[:-1]])
    v = sk & 16383
    widx = (sk >> 14) * _NW + (v >> 5)
    bit = jnp.where(first, jnp.left_shift(jnp.int32(1), v & 31), 0)
    adjw = jnp.zeros((n_nodes * _NW,), jnp.int32).at[widx].add(bit)
    x_pad = jnp.pad(x, ((0, _NPAD - n_nodes), (0, 0)))
    xg = x_pad.reshape(_NW, 32, in_ch).transpose(1, 0, 2)
    idx = tar_ei.astype(jnp.int32)

    cnw, xij = _sc_gather(adjw.reshape(n_nodes, _NW), idx[0], idx[1], x)

    full = lambda shape: pl.BlockSpec(shape, lambda r: (0,) * len(shape))
    out = pl.pallas_call(
        _mlp_body,
        grid=(n_tar // _RB,),
        in_specs=[
            pl.BlockSpec((_RB, _NW), lambda r: (r, 0)),
            pl.BlockSpec((_RB, in_ch), lambda r: (r, 0)),
            full((32, _NW, in_ch)),
            full((1, 1)),
            full((in_ch, hid)), full((1, hid)),
            full((hid, hid)), full((1, hid)),
            full((hid, hid)), full((1, hid)),
            full((in_ch, hid)), full((1, hid)),
            full((hid, hid)), full((1, hid)),
            full((hid, hid)), full((1, hid)),
            full((hid, out_ch)), full((1, out_ch)),
        ],
        out_specs=pl.BlockSpec((_RB, out_ch), lambda r: (r, 0)),
        out_shape=jax.ShapeDtypeStruct((n_tar, out_ch), jnp.float32),
        compiler_params=pltpu.CompilerParams(
            dimension_semantics=("arbitrary",),
        ),
        interpret=_INTERPRET,
    )(cnw, xij, xg, beta.reshape(1, 1),
      xcn_w1, xcn_b1.reshape(1, hid), xcn_w2, xcn_b2.reshape(1, hid),
      xcn_w3, xcn_b3.reshape(1, hid),
      xij_w1, xij_b1.reshape(1, hid), xij_w2, xij_b2.reshape(1, hid),
      lin_w1, lin_b1.reshape(1, hid), lin_w2, lin_b2.reshape(1, out_ch))
    return out

# --- scband reference (transcript-rebuilt; emitter-appended) ---
"""Pipeline reference for scband-cnlink-predictor-44865228374492 (READ-ONLY COPY).

The authoritative reference and input builder live on the scoring server;
editing this copy changes nothing except your own understanding.
"""

import jax, jax.numpy as jnp
import numpy as np

N_NODES = 10000
N_EDGES = 320000
IN_CH = 128
HID = 256
OUT_CH = 1
N_TAR = 4096


def setup_inputs(seed: int = 0) -> dict:
    key = jax.random.key(seed)
    ks = jax.random.split(key, 20)
    s = 0.05
    return {
        'x': jax.random.normal(ks[0], (N_NODES, IN_CH), dtype=jnp.float32),
        'edge_index': jax.random.randint(ks[1], (2, N_EDGES), 0, N_NODES, dtype=jnp.int32),
        'tar_ei': jax.random.randint(ks[2], (2, N_TAR), 0, N_NODES, dtype=jnp.int32),
        'beta': jnp.ones((1,), dtype=jnp.float32),
        'xcn_w1': jax.random.normal(ks[3], (IN_CH, HID), dtype=jnp.float32) * s,
        'xcn_b1': jnp.zeros((HID,), dtype=jnp.float32),
        'xcn_w2': jax.random.normal(ks[4], (HID, HID), dtype=jnp.float32) * s,
        'xcn_b2': jnp.zeros((HID,), dtype=jnp.float32),
        'xcn_w3': jax.random.normal(ks[5], (HID, HID), dtype=jnp.float32) * s,
        'xcn_b3': jnp.zeros((HID,), dtype=jnp.float32),
        'xij_w1': jax.random.normal(ks[6], (IN_CH, HID), dtype=jnp.float32) * s,
        'xij_b1': jnp.zeros((HID,), dtype=jnp.float32),
        'xij_w2': jax.random.normal(ks[7], (HID, HID), dtype=jnp.float32) * s,
        'xij_b2': jnp.zeros((HID,), dtype=jnp.float32),
        'lin_w1': jax.random.normal(ks[8], (HID, HID), dtype=jnp.float32) * s,
        'lin_b1': jnp.zeros((HID,), dtype=jnp.float32),
        'lin_w2': jax.random.normal(ks[9], (HID, OUT_CH), dtype=jnp.float32) * s,
        'lin_b2': jnp.zeros((OUT_CH,), dtype=jnp.float32),
    }


def reference(x, edge_index, tar_ei, beta, xcn_w1, xcn_b1, xcn_w2, xcn_b2, xcn_w3, xcn_b3, xij_w1, xij_b1, xij_w2, xij_b2, lin_w1, lin_b1, lin_w2, lin_b2):
    # Eval mode: DropAdj and all Dropouts are identity; use_xlin=False -> xlin(x)=0.
    N = x.shape[0]
    # Build dense boolean adjacency from COO edge_index (scatter-overwrite).
    A = jnp.zeros((N, N), dtype=jnp.bool_).at[edge_index[0], edge_index[1]].set(True)
    i = tar_ei[0]
    j = tar_ei[1]
    xi = jnp.take(x, i, axis=0)
    xj = jnp.take(x, j, axis=0)
    # adjoverlap: common-neighbor indicator matrix cn[t, n] = A[i_t, n] & A[j_t, n]
    cn = jnp.logical_and(jnp.take(A, i, axis=0), jnp.take(A, j, axis=0)).astype(x.dtype)
    # aggregate_common_neighbors (no attention/transformer/gru) = spmm_add(cn, x)
    xcn = cn @ x
    # xcnlin: Linear->ReLU->Linear->ReLU->Linear (tailact=False)
    h = jax.nn.relu(xcn @ xcn_w1 + xcn_b1)
    h = jax.nn.relu(h @ xcn_w2 + xcn_b2)
    h = h @ xcn_w3 + xcn_b3
    # xijlin on xi*xj (use_diff_feat=False): Linear->ReLU->Linear
    xij = xi * xj
    g = jax.nn.relu(xij @ xij_w1 + xij_b1)
    g = g @ xij_w2 + xij_b2
    # lin(xcnlin(xcn) * beta + xijlin(xij)): Linear->ReLU->Linear
    z = h * beta + g
    z = jax.nn.relu(z @ lin_w1 + lin_b1)
    out = z @ lin_w2 + lin_b2
    return out

if __name__ == "__main__":
    import jax
    _d = setup_inputs()
    print(jax.jit(kernel)(*tuple(_d.values())))

</pallas_src>

<mosaic_0001>
#map = affine_map<(d0, d1) -> (0, 0)>
#map1 = affine_map<(d0, d1) -> (0)>
module attributes {stable_mosaic.version = 14 : i64} {
  func.func @k(%arg0: i32, %arg1: i32, %arg2: memref<10000x384xi32, #tpu.memory_space<hbm>>, %arg3: memref<4096xi32, #tpu.memory_space<hbm>>, %arg4: memref<4096xi32, #tpu.memory_space<hbm>>, %arg5: memref<10000x128xf32, #tpu.memory_space<hbm>>, %arg6: memref<4096x384xi32, #tpu.memory_space<hbm>>, %arg7: memref<4096x128xf32, #tpu.memory_space<hbm>>, %arg8: memref<64xi32, #tpu.memory_space<vmem>>, %arg9: memref<64xi32, #tpu.memory_space<vmem>>, %arg10: memref<64x384xi32, #tpu.memory_space<vmem>>, %arg11: memref<64x384xi32, #tpu.memory_space<vmem>>, %arg12: memref<64x128xf32, #tpu.memory_space<vmem>>, %arg13: memref<64x128xf32, #tpu.memory_space<vmem>>, %arg14: memref<!tpu.dma_semaphore, #tpu.memory_space<semaphore_mem>>) attributes {dimension_semantics = [#tpu.dimension_semantics<core_parallel>, #tpu.dimension_semantics<subcore_parallel>], iteration_bounds = array<i64: 2, 16>, scalar_prefetch = 0 : i64, scratch_operands = 7 : i64, tpu.core_type = #tpu.core_type<sc_vector_subcore>, window_params = [{transform_indices = #map}, {transform_indices = #map1}, {transform_indices = #map1}, {transform_indices = #map}, {transform_indices = #map}, {transform_indices = #map}]} {
    %mul3A = arith.constant 2 : i32
    %mul3A_0 = arith.muli %arg1, %mul3A : i32
    %add3A = arith.addi %mul3A_0, %arg0 : i32
    %mul3A_1 = arith.constant 128 : i32
    %mul3A_2 = arith.muli %add3A, %mul3A_1 : i32
    %add3A_3 = arith.constant 0 : i32
    %add3A_4 = arith.addi %mul3A_2, %add3A_3 : i32
    "tpu.region"() ({
      %run_scoped3A = tpu.sem_alloc : memref<!tpu.dma_semaphore, #tpu.memory_space<semaphore_mem>>
      %dma_start3A_78 = tpu.memref_slice %arg3[%add3A_4] : memref<4096xi32, #tpu.memory_space<hbm>> -> memref<64xi32, #tpu.memory_space<hbm>>
      %dma_start3A_79 = tpu.memref_slice %arg3[%add3A_4] : memref<4096xi32, #tpu.memory_space<hbm>> -> memref<64xi32, #tpu.memory_space<hbm>>
      tpu.enqueue_dma source(%dma_start3A_79 : memref<64xi32, #tpu.memory_space<hbm>>) target(%arg8 : memref<64xi32, #tpu.memory_space<vmem>>) target_semaphore(%run_scoped3A : memref<!tpu.dma_semaphore, #tpu.memory_space<semaphore_mem>>)
      %dma_wait3A_80 = tpu.memref_slice %arg3[%add3A_4] : memref<4096xi32, #tpu.memory_space<hbm>> -> memref<64xi32, #tpu.memory_space<hbm>>
      %dma_wait3A_81 = tpu.memref_slice %arg3[%add3A_4] : memref<4096xi32, #tpu.memory_space<hbm>> -> memref<64xi32, #tpu.memory_space<hbm>>
      tpu.wait_dma2 semaphore(%run_scoped3A : memref<!tpu.dma_semaphore, #tpu.memory_space<semaphore_mem>>) src(%dma_wait3A_81 : memref<64xi32, #tpu.memory_space<hbm>>) dst(%arg8 : memref<64xi32, #tpu.memory_space<vmem>>)
      tpu.yield
    }) : () -> ()
    "tpu.region"() ({
      %run_scoped3A = tpu.sem_alloc : memref<!tpu.dma_semaphore, #tpu.memory_space<semaphore_mem>>
      %dma_start3A_78 = tpu.memref_slice %arg4[%add3A_4] : memref<4096xi32, #tpu.memory_space<hbm>> -> memref<64xi32, #tpu.memory_space<hbm>>
      %dma_start3A_79 = tpu.memref_slice %arg4[%add3A_4] : memref<4096xi32, #tpu.memory_space<hbm>> -> memref<64xi32, #tpu.memory_space<hbm>>
      tpu.enqueue_dma source(%dma_start3A_79 : memref<64xi32, #tpu.memory_space<hbm>>) target(%arg9 : memref<64xi32, #tpu.memory_space<vmem>>) target_semaphore(%run_scoped3A : memref<!tpu.dma_semaphore, #tpu.memory_space<semaphore_mem>>)
      %dma_wait3A_80 = tpu.memref_slice %arg4[%add3A_4] : memref<4096xi32, #tpu.memory_space<hbm>> -> memref<64xi32, #tpu.memory_space<hbm>>
      %dma_wait3A_81 = tpu.memref_slice %arg4[%add3A_4] : memref<4096xi32, #tpu.memory_space<hbm>> -> memref<64xi32, #tpu.memory_space<hbm>>
      tpu.wait_dma2 semaphore(%run_scoped3A : memref<!tpu.dma_semaphore, #tpu.memory_space<semaphore_mem>>) src(%dma_wait3A_81 : memref<64xi32, #tpu.memory_space<hbm>>) dst(%arg9 : memref<64xi32, #tpu.memory_space<vmem>>)
      tpu.yield
    }) : () -> ()
    %dma_start3A = arith.constant 0 : i32
    %dma_start3A_5 = arith.constant 0 : i32
    %dma_start3A_6 = tpu.memref_slice %arg2[%dma_start3A, %dma_start3A_5] : memref<10000x384xi32, #tpu.memory_space<hbm>> -> memref<10000x384xi32, #tpu.memory_space<hbm>>
    tpu.enqueue_indirect_dma source(%dma_start3A_6 : memref<10000x384xi32, #tpu.memory_space<hbm>>) target(%arg10 : memref<64x384xi32, #tpu.memory_space<vmem>>) offsets(%arg8 : memref<64xi32, #tpu.memory_space<vmem>>) semaphore(%arg14 : memref<!tpu.dma_semaphore, #tpu.memory_space<semaphore_mem>>)
    %dma_wait3A = arith.constant 0 : i32
    %dma_wait3A_7 = arith.constant 0 : i32
    %dma_wait3A_8 = tpu.memref_slice %arg2[%dma_wait3A, %dma_wait3A_7] : memref<10000x384xi32, #tpu.memory_space<hbm>> -> memref<10000x384xi32, #tpu.memory_space<hbm>>
    tpu.wait_indirect_dma semaphore(%arg14 : memref<!tpu.dma_semaphore, #tpu.memory_space<semaphore_mem>>) src(%dma_wait3A_8 : memref<10000x384xi32, #tpu.memory_space<hbm>>) dst(%arg10 : memref<64x384xi32, #tpu.memory_space<vmem>>)
    %dma_start3A_9 = arith.constant 0 : i32
    %dma_start3A_10 = arith.constant 0 : i32
    %dma_start3A_11 = tpu.memref_slice %arg2[%dma_start3A_9, %dma_start3A_10] : memref<10000x384xi32, #tpu.memory_space<hbm>> -> memref<10000x384xi32, #tpu.memory_space<hbm>>
    tpu.enqueue_indirect_dma source(%dma_start3A_11 : memref<10000x384xi32, #tpu.memory_space<hbm>>) target(%arg11 : memref<64x384xi32, #tpu.memory_space<vmem>>) offsets(%arg9 : memref<64xi32, #tpu.memory_space<vmem>>) semaphore(%arg14 : memref<!tpu.dma_semaphore, #tpu.memory_space<semaphore_mem>>)
    %dma_wait3A_12 = arith.constant 0 : i32
    %dma_wait3A_13 = arith.constant 0 : i32
    %dma_wait3A_14 = tpu.memref_slice %arg2[%dma_wait3A_12, %dma_wait3A_13] : memref<10000x384xi32, #tpu.memory_space<hbm>> -> memref<10000x384xi32, #tpu.memory_space<hbm>>
    tpu.wait_indirect_dma semaphore(%arg14 : memref<!tpu.dma_semaphore, #tpu.memory_space<semaphore_mem>>) src(%dma_wait3A_14 : memref<10000x384xi32, #tpu.memory_space<hbm>>) dst(%arg11 : memref<64x384xi32, #tpu.memory_space<vmem>>)
    %dma_start3A_15 = arith.constant 0 : i32
    %dma_start3A_16 = arith.constant 0 : i32
    %dma_start3A_17 = tpu.memref_slice %arg5[%dma_start3A_15, %dma_start3A_16] : memref<10000x128xf32, #tpu.memory_space<hbm>> -> memref<10000x128xf32, #tpu.memory_space<hbm>>
    tpu.enqueue_indirect_dma source(%dma_start3A_17 : memref<10000x128xf32, #tpu.memory_space<hbm>>) target(%arg12 : memref<64x128xf32, #tpu.memory_space<vmem>>) offsets(%arg8 : memref<64xi32, #tpu.memory_space<vmem>>) semaphore(%arg14 : memref<!tpu.dma_semaphore, #tpu.memory_space<semaphore_mem>>)
    %dma_wait3A_18 = arith.constant 0 : i32
    %dma_wait3A_19 = arith.constant 0 : i32
    %dma_wait3A_20 = tpu.memref_slice %arg5[%dma_wait3A_18, %dma_wait3A_19] : memref<10000x128xf32, #tpu.memory_space<hbm>> -> memref<10000x128xf32, #tpu.memory_space<hbm>>
    tpu.wait_indirect_dma semaphore(%arg14 : memref<!tpu.dma_semaphore, #tpu.memory_space<semaphore_mem>>) src(%dma_wait3A_20 : memref<10000x128xf32, #tpu.memory_space<hbm>>) dst(%arg12 : memref<64x128xf32, #tpu.memory_space<vmem>>)
    %dma_start3A_21 = arith.constant 0 : i32
    %dma_start3A_22 = arith.constant 0 : i32
    %dma_start3A_23 = tpu.memref_slice %arg5[%dma_start3A_21, %dma_start3A_22] : memref<10000x128xf32, #tpu.memory_space<hbm>> -> memref<10000x128xf32, #tpu.memory_space<hbm>>
    tpu.enqueue_indirect_dma source(%dma_start3A_23 : memref<10000x128xf32, #tpu.memory_space<hbm>>) target(%arg13 : memref<64x128xf32, #tpu.memory_space<vmem>>) offsets(%arg9 : memref<64xi32, #tpu.memory_space<vmem>>) semaphore(%arg14 : memref<!tpu.dma_semaphore, #tpu.memory_space<semaphore_mem>>)
    %dma_wait3A_24 = arith.constant 0 : i32
    %dma_wait3A_25 = arith.constant 0 : i32
    %dma_wait3A_26 = tpu.memref_slice %arg5[%dma_wait3A_24, %dma_wait3A_25] : memref<10000x128xf32, #tpu.memory_space<hbm>> -> memref<10000x128xf32, #tpu.memory_space<hbm>>
    tpu.wait_indirect_dma semaphore(%arg14 : memref<!tpu.dma_semaphore, #tpu.memory_space<semaphore_mem>>) src(%dma_wait3A_26 : memref<10000x128xf32, #tpu.memory_space<hbm>>) dst(%arg13 : memref<64x128xf32, #tpu.memory_space<vmem>>)
    %scan3A = arith.constant 0 : i32
    %scan3A_27 = arith.constant 0 : i32
    %scan3A_28 = arith.constant 1536 : i32
    %scan3A_29 = arith.addi %scan3A_27, %scan3A_28 : i32
    %scan3A_30 = arith.constant 1 : i32
    scf.for %scan3A_78 = %scan3A_27 to %scan3A_29 step %scan3A_30  : i32 {
      %jit3A = arith.constant 24 : i32
      %div3A = arith.divsi %scan3A_78, %jit3A : i32
      %sign3A = arith.constant 0 : i32
      %sign3A_79 = arith.cmpi sgt, %scan3A_78, %sign3A : i32
      %sign3A_80 = arith.extui %sign3A_79 : i1 to i32
      %sign3A_81 = arith.constant 0 : i32
      %sign3A_82 = arith.cmpi slt, %scan3A_78, %sign3A_81 : i32
      %sign3A_83 = arith.extui %sign3A_82 : i1 to i32
      %sign3A_84 = arith.subi %sign3A_80, %sign3A_83 : i32
      %sign3A_85 = arith.constant 0 : i32
      %sign3A_86 = arith.cmpi sgt, %jit3A, %sign3A_85 : i32
      %sign3A_87 = arith.extui %sign3A_86 : i1 to i32
      %sign3A_88 = arith.constant 0 : i32
      %sign3A_89 = arith.cmpi slt, %jit3A, %sign3A_88 : i32
      %sign3A_90 = arith.extui %sign3A_89 : i1 to i32
      %sign3A_91 = arith.subi %sign3A_87, %sign3A_90 : i32
      %ne3A = arith.cmpi ne, %sign3A_84, %sign3A_91 : i32
      %rem3A = arith.remsi %scan3A_78, %jit3A : i32
      %ne3A_92 = arith.constant 0 : i32
      %ne3A_93 = arith.cmpi ne, %rem3A, %ne3A_92 : i32
      %and3A = arith.andi %ne3A, %ne3A_93 : i1
      %sub3A = arith.constant 1 : i32
      %sub3A_94 = arith.subi %div3A, %sub3A : i32
      %select_n3A = arith.select %and3A, %sub3A_94, %div3A : i32
      %jit3A_95 = arith.constant 24 : i32
      %eq3A = arith.constant 0 : i32
      %eq3A_96 = arith.cmpi eq, %jit3A_95, %eq3A : i32
      %jit3A_97 = arith.constant 1 : i32
      %select_n3A_98 = arith.select %eq3A_96, %jit3A_97, %jit3A_95 : i32
      %rem3A_99 = arith.remsi %scan3A_78, %select_n3A_98 : i32
      %ne3A_100 = arith.constant 0 : i32
      %ne3A_101 = arith.cmpi ne, %rem3A_99, %ne3A_100 : i32
      %lt3A = arith.constant 0 : i32
      %lt3A_102 = arith.cmpi slt, %rem3A_99, %lt3A : i32
      %lt3A_103 = arith.constant 0 : i32
      %lt3A_104 = arith.cmpi slt, %select_n3A_98, %lt3A_103 : i32
      %ne3A_105 = arith.xori %lt3A_102, %lt3A_104 : i1
      %and3A_106 = arith.andi %ne3A_105, %ne3A_101 : i1
      %add3A_107 = arith.addi %rem3A_99, %select_n3A_98 : i32
      %select_n3A_108 = arith.select %and3A_106, %add3A_107, %rem3A_99 : i32
      %mul3A_109 = arith.constant 16 : i32
      %mul3A_110 = arith.muli %select_n3A_108, %mul3A_109 : i32
      %get3A = arith.index_cast %select_n3A : i32 to index
      %get3A_111 = arith.index_cast %mul3A_110 : i32 to index
      %get3A_112 = tpu.vector_load %arg10[%get3A, %get3A_111] {strides = array<i32>} : memref<64x384xi32, #tpu.memory_space<vmem>>, vector<1x16xi32>,
      %get3A_113 = vector.shape_cast %get3A_112 : vector<1x16xi32> to vector<16xi32>
      %get3A_114 = arith.index_cast %select_n3A : i32 to index
      %get3A_115 = arith.index_cast %mul3A_110 : i32 to index
      %get3A_116 = tpu.vector_load %arg11[%get3A_114, %get3A_115] {strides = array<i32>} : memref<64x384xi32, #tpu.memory_space<vmem>>, vector<1x16xi32>,
      %get3A_117 = vector.shape_cast %get3A_116 : vector<1x16xi32> to vector<16xi32>
      %and3A_118 = arith.andi %get3A_113, %get3A_117 : vector<16xi32>
      %swap3A = arith.index_cast %select_n3A : i32 to index
      %swap3A_119 = arith.index_cast %mul3A_110 : i32 to index
      %swap3A_120 = tpu.vector_load %arg10[%swap3A, %swap3A_119] {strides = array<i32>} : memref<64x384xi32, #tpu.memory_space<vmem>>, vector<1x16xi32>,
      %swap3A_121 = vector.shape_cast %swap3A_120 : vector<1x16xi32> to vector<16xi32>
      %swap3A_122 = vector.shape_cast %and3A_118 : vector<16xi32> to vector<1x16xi32>
      tpu.vector_store %arg10[%swap3A, %swap3A_119], %swap3A_122 {strides = array<i32>} : memref<64x384xi32, #tpu.memory_space<vmem>>, vector<1x16xi32>,
    }
    %scan3A_31 = arith.constant 1536 : i32
    %scan3A_32 = arith.constant 0 : i32
    %scan3A_33 = arith.constant 0 : i32
    %scan3A_34 = arith.constant 512 : i32
    %scan3A_35 = arith.addi %scan3A_33, %scan3A_34 : i32
    %scan3A_36 = arith.constant 1 : i32
    scf.for %scan3A_78 = %scan3A_33 to %scan3A_35 step %scan3A_36  : i32 {
      %jit3A = arith.constant 8 : i32
      %div3A = arith.divsi %scan3A_78, %jit3A : i32
      %sign3A = arith.constant 0 : i32
      %sign3A_79 = arith.cmpi sgt, %scan3A_78, %sign3A : i32
      %sign3A_80 = arith.extui %sign3A_79 : i1 to i32
      %sign3A_81 = arith.constant 0 : i32
      %sign3A_82 = arith.cmpi slt, %scan3A_78, %sign3A_81 : i32
      %sign3A_83 = arith.extui %sign3A_82 : i1 to i32
      %sign3A_84 = arith.subi %sign3A_80, %sign3A_83 : i32
      %sign3A_85 = arith.constant 0 : i32
      %sign3A_86 = arith.cmpi sgt, %jit3A, %sign3A_85 : i32
      %sign3A_87 = arith.extui %sign3A_86 : i1 to i32
      %sign3A_88 = arith.constant 0 : i32
      %sign3A_89 = arith.cmpi slt, %jit3A, %sign3A_88 : i32
      %sign3A_90 = arith.extui %sign3A_89 : i1 to i32
      %sign3A_91 = arith.subi %sign3A_87, %sign3A_90 : i32
      %ne3A = arith.cmpi ne, %sign3A_84, %sign3A_91 : i32
      %rem3A = arith.remsi %scan3A_78, %jit3A : i32
      %ne3A_92 = arith.constant 0 : i32
      %ne3A_93 = arith.cmpi ne, %rem3A, %ne3A_92 : i32
      %and3A = arith.andi %ne3A, %ne3A_93 : i1
      %sub3A = arith.constant 1 : i32
      %sub3A_94 = arith.subi %div3A, %sub3A : i32
      %select_n3A = arith.select %and3A, %sub3A_94, %div3A : i32
      %jit3A_95 = arith.constant 8 : i32
      %eq3A = arith.constant 0 : i32
      %eq3A_96 = arith.cmpi eq, %jit3A_95, %eq3A : i32
      %jit3A_97 = arith.constant 1 : i32
      %select_n3A_98 = arith.select %eq3A_96, %jit3A_97, %jit3A_95 : i32
      %rem3A_99 = arith.remsi %scan3A_78, %select_n3A_98 : i32
      %ne3A_100 = arith.constant 0 : i32
      %ne3A_101 = arith.cmpi ne, %rem3A_99, %ne3A_100 : i32
      %lt3A = arith.constant 0 : i32
      %lt3A_102 = arith.cmpi slt, %rem3A_99, %lt3A : i32
      %lt3A_103 = arith.constant 0 : i32
      %lt3A_104 = arith.cmpi slt, %select_n3A_98, %lt3A_103 : i32
      %ne3A_105 = arith.xori %lt3A_102, %lt3A_104 : i1
      %and3A_106 = arith.andi %ne3A_105, %ne3A_101 : i1
      %add3A_107 = arith.addi %rem3A_99, %select_n3A_98 : i32
      %select_n3A_108 = arith.select %and3A_106, %add3A_107, %rem3A_99 : i32
      %mul3A_109 = arith.constant 16 : i32
      %mul3A_110 = arith.muli %select_n3A_108, %mul3A_109 : i32
      %get3A = arith.index_cast %select_n3A : i32 to index
      %get3A_111 = arith.index_cast %mul3A_110 : i32 to index
      %get3A_112 = tpu.vector_load %arg12[%get3A, %get3A_111] {strides = array<i32>} : memref<64x128xf32, #tpu.memory_space<vmem>>, vector<1x16xf32>,
      %get3A_113 = vector.shape_cast %get3A_112 : vector<1x16xf32> to vector<16xf32>
      %get3A_114 = arith.index_cast %select_n3A : i32 to index
      %get3A_115 = arith.index_cast %mul3A_110 : i32 to index
      %get3A_116 = tpu.vector_load %arg13[%get3A_114, %get3A_115] {strides = array<i32>} : memref<64x128xf32, #tpu.memory_space<vmem>>, vector<1x16xf32>,
      %get3A_117 = vector.shape_cast %get3A_116 : vector<1x16xf32> to vector<16xf32>
      %mul3A_118 = arith.mulf %get3A_113, %get3A_117 : vector<16xf32>
      %swap3A = arith.index_cast %select_n3A : i32 to index
      %swap3A_119 = arith.index_cast %mul3A_110 : i32 to index
      %swap3A_120 = tpu.vector_load %arg12[%swap3A, %swap3A_119] {strides = array<i32>} : memref<64x128xf32, #tpu.memory_space<vmem>>, vector<1x16xf32>,
      %swap3A_121 = vector.shape_cast %swap3A_120 : vector<1x16xf32> to vector<16xf32>
      %swap3A_122 = vector.shape_cast %mul3A_118 : vector<16xf32> to vector<1x16xf32>
      tpu.vector_store %arg12[%swap3A, %swap3A_119], %swap3A_122 {strides = array<i32>} : memref<64x128xf32, #tpu.memory_space<vmem>>, vector<1x16xf32>,
    }
    %scan3A_37 = arith.constant 512 : i32
    "tpu.region"() ({
      %run_scoped3A = tpu.sem_alloc : memref<!tpu.dma_semaphore, #tpu.memory_space<semaphore_mem>>
      %dma_start3A_78 = arith.constant 0 : i32
      %dma_start3A_79 = tpu.memref_slice %arg6[%add3A_4, %dma_start3A_78] : memref<4096x384xi32, #tpu.memory_space<hbm>> -> memref<64x384xi32, #tpu.memory_space<hbm>>
      %dma_start3A_80 = arith.constant 0 : i32
      %dma_start3A_81 = tpu.memref_slice %arg6[%add3A_4, %dma_start3A_80] : memref<4096x384xi32, #tpu.memory_space<hbm>> -> memref<64x384xi32, #tpu.memory_space<hbm>>
      tpu.enqueue_dma source(%arg10 : memref<64x384xi32, #tpu.memory_space<vmem>>) target(%dma_start3A_81 : memref<64x384xi32, #tpu.memory_space<hbm>>) target_semaphore(%run_scoped3A : memref<!tpu.dma_semaphore, #tpu.memory_space<semaphore_mem>>)
      %dma_wait3A_82 = arith.constant 0 : i32
      %dma_wait3A_83 = tpu.memref_slice %arg6[%add3A_4, %dma_wait3A_82] : memref<4096x384xi32, #tpu.memory_space<hbm>> -> memref<64x384xi32, #tpu.memory_space<hbm>>
      %dma_wait3A_84 = arith.constant 0 : i32
      %dma_wait3A_85 = tpu.memref_slice %arg6[%add3A_4, %dma_wait3A_84] : memref<4096x384xi32, #tpu.memory_space<hbm>> -> memref<64x384xi32, #tpu.memory_space<hbm>>
      tpu.wait_dma2 semaphore(%run_scoped3A : memref<!tpu.dma_semaphore, #tpu.memory_space<semaphore_mem>>) src(%arg10 : memref<64x384xi32, #tpu.memory_space<vmem>>) dst(%dma_wait3A_85 : memref<64x384xi32, #tpu.memory_space<hbm>>)
      tpu.yield
    }) : () -> ()
    "tpu.region"() ({
      %run_scoped3A = tpu.sem_alloc : memref<!tpu.dma_semaphore, #tpu.memory_space<semaphore_mem>>
      %dma_start3A_78 = arith.constant 0 : i32
      %dma_start3A_79 = tpu.memref_slice %arg7[%add3A_4, %dma_start3A_78] : memref<4096x128xf32, #tpu.memory_space<hbm>> -> memref<64x128xf32, #tpu.memory_space<hbm>>
      %dma_start3A_80 = arith.constant 0 : i32
      %dma_start3A_81 = tpu.memref_slice %arg7[%add3A_4, %dma_start3A_80] : memref<4096x128xf32, #tpu.memory_space<hbm>> -> memref<64x128xf32, #tpu.memory_space<hbm>>
      tpu.enqueue_dma source(%arg12 : memref<64x128xf32, #tpu.memory_space<vmem>>) target(%dma_start3A_81 : memref<64x128xf32, #tpu.memory_space<hbm>>) target_semaphore(%run_scoped3A : memref<!tpu.dma_semaphore, #tpu.memory_space<semaphore_mem>>)
      %dma_wait3A_82 = arith.constant 0 : i32
      %dma_wait3A_83 = tpu.memref_slice %arg7[%add3A_4, %dma_wait3A_82] : memref<4096x128xf32, #tpu.memory_space<hbm>> -> memref<64x128xf32, #tpu.memory_space<hbm>>
      %dma_wait3A_84 = arith.constant 0 : i32
      %dma_wait3A_85 = tpu.memref_slice %arg7[%add3A_4, %dma_wait3A_84] : memref<4096x128xf32, #tpu.memory_space<hbm>> -> memref<64x128xf32, #tpu.memory_space<hbm>>
      tpu.wait_dma2 semaphore(%run_scoped3A : memref<!tpu.dma_semaphore, #tpu.memory_space<semaphore_mem>>) src(%arg12 : memref<64x128xf32, #tpu.memory_space<vmem>>) dst(%dma_wait3A_85 : memref<64x128xf32, #tpu.memory_space<hbm>>)
      tpu.yield
    }) : () -> ()
    %mul3A_38 = arith.constant 128 : i32
    %mul3A_39 = arith.muli %add3A, %mul3A_38 : i32
    %add3A_40 = arith.constant 64 : i32
    %add3A_41 = arith.addi %mul3A_39, %add3A_40 : i32
    "tpu.region"() ({
      %run_scoped3A = tpu.sem_alloc : memref<!tpu.dma_semaphore, #tpu.memory_space<semaphore_mem>>
      %dma_start3A_78 = tpu.memref_slice %arg3[%add3A_41] : memref<4096xi32, #tpu.memory_space<hbm>> -> memref<64xi32, #tpu.memory_space<hbm>>
      %dma_start3A_79 = tpu.memref_slice %arg3[%add3A_41] : memref<4096xi32, #tpu.memory_space<hbm>> -> memref<64xi32, #tpu.memory_space<hbm>>
      tpu.enqueue_dma source(%dma_start3A_79 : memref<64xi32, #tpu.memory_space<hbm>>) target(%arg8 : memref<64xi32, #tpu.memory_space<vmem>>) target_semaphore(%run_scoped3A : memref<!tpu.dma_semaphore, #tpu.memory_space<semaphore_mem>>)
      %dma_wait3A_80 = tpu.memref_slice %arg3[%add3A_41] : memref<4096xi32, #tpu.memory_space<hbm>> -> memref<64xi32, #tpu.memory_space<hbm>>
      %dma_wait3A_81 = tpu.memref_slice %arg3[%add3A_41] : memref<4096xi32, #tpu.memory_space<hbm>> -> memref<64xi32, #tpu.memory_space<hbm>>
      tpu.wait_dma2 semaphore(%run_scoped3A : memref<!tpu.dma_semaphore, #tpu.memory_space<semaphore_mem>>) src(%dma_wait3A_81 : memref<64xi32, #tpu.memory_space<hbm>>) dst(%arg8 : memref<64xi32, #tpu.memory_space<vmem>>)
      tpu.yield
    }) : () -> ()
    "tpu.region"() ({
      %run_scoped3A = tpu.sem_alloc : memref<!tpu.dma_semaphore, #tpu.memory_space<semaphore_mem>>
      %dma_start3A_78 = tpu.memref_slice %arg4[%add3A_41] : memref<4096xi32, #tpu.memory_space<hbm>> -> memref<64xi32, #tpu.memory_space<hbm>>
      %dma_start3A_79 = tpu.memref_slice %arg4[%add3A_41] : memref<4096xi32, #tpu.memory_space<hbm>> -> memref<64xi32, #tpu.memory_space<hbm>>
      tpu.enqueue_dma source(%dma_start3A_79 : memref<64xi32, #tpu.memory_space<hbm>>) target(%arg9 : memref<64xi32, #tpu.memory_space<vmem>>) target_semaphore(%run_scoped3A : memref<!tpu.dma_semaphore, #tpu.memory_space<semaphore_mem>>)
      %dma_wait3A_80 = tpu.memref_slice %arg4[%add3A_41] : memref<4096xi32, #tpu.memory_space<hbm>> -> memref<64xi32, #tpu.memory_space<hbm>>
      %dma_wait3A_81 = tpu.memref_slice %arg4[%add3A_41] : memref<4096xi32, #tpu.memory_space<hbm>> -> memref<64xi32, #tpu.memory_space<hbm>>
      tpu.wait_dma2 semaphore(%run_scoped3A : memref<!tpu.dma_semaphore, #tpu.memory_space<semaphore_mem>>) src(%dma_wait3A_81 : memref<64xi32, #tpu.memory_space<hbm>>) dst(%arg9 : memref<64xi32, #tpu.memory_space<vmem>>)
      tpu.yield
    }) : () -> ()
    %dma_start3A_42 = arith.constant 0 : i32
    %dma_start3A_43 = arith.constant 0 : i32
    %dma_start3A_44 = tpu.memref_slice %arg2[%dma_start3A_42, %dma_start3A_43] : memref<10000x384xi32, #tpu.memory_space<hbm>> -> memref<10000x384xi32, #tpu.memory_space<hbm>>
    tpu.enqueue_indirect_dma source(%dma_start3A_44 : memref<10000x384xi32, #tpu.memory_space<hbm>>) target(%arg10 : memref<64x384xi32, #tpu.memory_space<vmem>>) offsets(%arg8 : memref<64xi32, #tpu.memory_space<vmem>>) semaphore(%arg14 : memref<!tpu.dma_semaphore, #tpu.memory_space<semaphore_mem>>)
    %dma_wait3A_45 = arith.constant 0 : i32
    %dma_wait3A_46 = arith.constant 0 : i32
    %dma_wait3A_47 = tpu.memref_slice %arg2[%dma_wait3A_45, %dma_wait3A_46] : memref<10000x384xi32, #tpu.memory_space<hbm>> -> memref<10000x384xi32, #tpu.memory_space<hbm>>
    tpu.wait_indirect_dma semaphore(%arg14 : memref<!tpu.dma_semaphore, #tpu.memory_space<semaphore_mem>>) src(%dma_wait3A_47 : memref<10000x384xi32, #tpu.memory_space<hbm>>) dst(%arg10 : memref<64x384xi32, #tpu.memory_space<vmem>>)
    %dma_start3A_48 = arith.constant 0 : i32
    %dma_start3A_49 = arith.constant 0 : i32
    %dma_start3A_50 = tpu.memref_slice %arg2[%dma_start3A_48, %dma_start3A_49] : memref<10000x384xi32, #tpu.memory_space<hbm>> -> memref<10000x384xi32, #tpu.memory_space<hbm>>
    tpu.enqueue_indirect_dma source(%dma_start3A_50 : memref<10000x384xi32, #tpu.memory_space<hbm>>) target(%arg11 : memref<64x384xi32, #tpu.memory_space<vmem>>) offsets(%arg9 : memref<64xi32, #tpu.memory_space<vmem>>) semaphore(%arg14 : memref<!tpu.dma_semaphore, #tpu.memory_space<semaphore_mem>>)
    %dma_wait3A_51 = arith.constant 0 : i32
    %dma_wait3A_52 = arith.constant 0 : i32
    %dma_wait3A_53 = tpu.memref_slice %arg2[%dma_wait3A_51, %dma_wait3A_52] : memref<10000x384xi32, #tpu.memory_space<hbm>> -> memref<10000x384xi32, #tpu.memory_space<hbm>>
    tpu.wait_indirect_dma semaphore(%arg14 : memref<!tpu.dma_semaphore, #tpu.memory_space<semaphore_mem>>) src(%dma_wait3A_53 : memref<10000x384xi32, #tpu.memory_space<hbm>>) dst(%arg11 : memref<64x384xi32, #tpu.memory_space<vmem>>)
    %dma_start3A_54 = arith.constant 0 : i32
    %dma_start3A_55 = arith.constant 0 : i32
    %dma_start3A_56 = tpu.memref_slice %arg5[%dma_start3A_54, %dma_start3A_55] : memref<10000x128xf32, #tpu.memory_space<hbm>> -> memref<10000x128xf32, #tpu.memory_space<hbm>>
    tpu.enqueue_indirect_dma source(%dma_start3A_56 : memref<10000x128xf32, #tpu.memory_space<hbm>>) target(%arg12 : memref<64x128xf32, #tpu.memory_space<vmem>>) offsets(%arg8 : memref<64xi32, #tpu.memory_space<vmem>>) semaphore(%arg14 : memref<!tpu.dma_semaphore, #tpu.memory_space<semaphore_mem>>)
    %dma_wait3A_57 = arith.constant 0 : i32
    %dma_wait3A_58 = arith.constant 0 : i32
    %dma_wait3A_59 = tpu.memref_slice %arg5[%dma_wait3A_57, %dma_wait3A_58] : memref<10000x128xf32, #tpu.memory_space<hbm>> -> memref<10000x128xf32, #tpu.memory_space<hbm>>
    tpu.wait_indirect_dma semaphore(%arg14 : memref<!tpu.dma_semaphore, #tpu.memory_space<semaphore_mem>>) src(%dma_wait3A_59 : memref<10000x128xf32, #tpu.memory_space<hbm>>) dst(%arg12 : memref<64x128xf32, #tpu.memory_space<vmem>>)
    %dma_start3A_60 = arith.constant 0 : i32
    %dma_start3A_61 = arith.constant 0 : i32
    %dma_start3A_62 = tpu.memref_slice %arg5[%dma_start3A_60, %dma_start3A_61] : memref<10000x128xf32, #tpu.memory_space<hbm>> -> memref<10000x128xf32, #tpu.memory_space<hbm>>
    tpu.enqueue_indirect_dma source(%dma_start3A_62 : memref<10000x128xf32, #tpu.memory_space<hbm>>) target(%arg13 : memref<64x128xf32, #tpu.memory_space<vmem>>) offsets(%arg9 : memref<64xi32, #tpu.memory_space<vmem>>) semaphore(%arg14 : memref<!tpu.dma_semaphore, #tpu.memory_space<semaphore_mem>>)
    %dma_wait3A_63 = arith.constant 0 : i32
    %dma_wait3A_64 = arith.constant 0 : i32
    %dma_wait3A_65 = tpu.memref_slice %arg5[%dma_wait3A_63, %dma_wait3A_64] : memref<10000x128xf32, #tpu.memory_space<hbm>> -> memref<10000x128xf32, #tpu.memory_space<hbm>>
    tpu.wait_indirect_dma semaphore(%arg14 : memref<!tpu.dma_semaphore, #tpu.memory_space<semaphore_mem>>) src(%dma_wait3A_65 : memref<10000x128xf32, #tpu.memory_space<hbm>>) dst(%arg13 : memref<64x128xf32, #tpu.memory_space<vmem>>)
    %scan3A_66 = arith.constant 0 : i32
    %scan3A_67 = arith.constant 0 : i32
    %scan3A_68 = arith.constant 1536 : i32
    %scan3A_69 = arith.addi %scan3A_67, %scan3A_68 : i32
    %scan3A_70 = arith.constant 1 : i32
    scf.for %scan3A_78 = %scan3A_67 to %scan3A_69 step %scan3A_70  : i32 {
      %jit3A = arith.constant 24 : i32
      %div3A = arith.divsi %scan3A_78, %jit3A : i32
      %sign3A = arith.constant 0 : i32
      %sign3A_79 = arith.cmpi sgt, %scan3A_78, %sign3A : i32
      %sign3A_80 = arith.extui %sign3A_79 : i1 to i32
      %sign3A_81 = arith.constant 0 : i32
      %sign3A_82 = arith.cmpi slt, %scan3A_78, %sign3A_81 : i32
      %sign3A_83 = arith.extui %sign3A_82 : i1 to i32
      %sign3A_84 = arith.subi %sign3A_80, %sign3A_83 : i32
      %sign3A_85 = arith.constant 0 : i32
      %sign3A_86 = arith.cmpi sgt, %jit3A, %sign3A_85 : i32
      %sign3A_87 = arith.extui %sign3A_86 : i1 to i32
      %sign3A_88 = arith.constant 0 : i32
      %sign3A_89 = arith.cmpi slt, %jit3A, %sign3A_88 : i32
      %sign3A_90 = arith.extui %sign3A_89 : i1 to i32
      %sign3A_91 = arith.subi %sign3A_87, %sign3A_90 : i32
      %ne3A = arith.cmpi ne, %sign3A_84, %sign3A_91 : i32
      %rem3A = arith.remsi %scan3A_78, %jit3A : i32
      %ne3A_92 = arith.constant 0 : i32
      %ne3A_93 = arith.cmpi ne, %rem3A, %ne3A_92 : i32
      %and3A = arith.andi %ne3A, %ne3A_93 : i1
      %sub3A = arith.constant 1 : i32
      %sub3A_94 = arith.subi %div3A, %sub3A : i32
      %select_n3A = arith.select %and3A, %sub3A_94, %div3A : i32
      %jit3A_95 = arith.constant 24 : i32
      %eq3A = arith.constant 0 : i32
      %eq3A_96 = arith.cmpi eq, %jit3A_95, %eq3A : i32
      %jit3A_97 = arith.constant 1 : i32
      %select_n3A_98 = arith.select %eq3A_96, %jit3A_97, %jit3A_95 : i32
      %rem3A_99 = arith.remsi %scan3A_78, %select_n3A_98 : i32
      %ne3A_100 = arith.constant 0 : i32
      %ne3A_101 = arith.cmpi ne, %rem3A_99, %ne3A_100 : i32
      %lt3A = arith.constant 0 : i32
      %lt3A_102 = arith.cmpi slt, %rem3A_99, %lt3A : i32
      %lt3A_103 = arith.constant 0 : i32
      %lt3A_104 = arith.cmpi slt, %select_n3A_98, %lt3A_103 : i32
      %ne3A_105 = arith.xori %lt3A_102, %lt3A_104 : i1
      %and3A_106 = arith.andi %ne3A_105, %ne3A_101 : i1
      %add3A_107 = arith.addi %rem3A_99, %select_n3A_98 : i32
      %select_n3A_108 = arith.select %and3A_106, %add3A_107, %rem3A_99 : i32
      %mul3A_109 = arith.constant 16 : i32
      %mul3A_110 = arith.muli %select_n3A_108, %mul3A_109 : i32
      %get3A = arith.index_cast %select_n3A : i32 to index
      %get3A_111 = arith.index_cast %mul3A_110 : i32 to index
      %get3A_112 = tpu.vector_load %arg10[%get3A, %get3A_111] {strides = array<i32>} : memref<64x384xi32, #tpu.memory_space<vmem>>, vector<1x16xi32>,
      %get3A_113 = vector.shape_cast %get3A_112 : vector<1x16xi32> to vector<16xi32>
      %get3A_114 = arith.index_cast %select_n3A : i32 to index
      %get3A_115 = arith.index_cast %mul3A_110 : i32 to index
      %get3A_116 = tpu.vector_load %arg11[%get3A_114, %get3A_115] {strides = array<i32>} : memref<64x384xi32, #tpu.memory_space<vmem>>, vector<1x16xi32>,
      %get3A_117 = vector.shape_cast %get3A_116 : vector<1x16xi32> to vector<16xi32>
      %and3A_118 = arith.andi %get3A_113, %get3A_117 : vector<16xi32>
      %swap3A = arith.index_cast %select_n3A : i32 to index
      %swap3A_119 = arith.index_cast %mul3A_110 : i32 to index
      %swap3A_120 = tpu.vector_load %arg10[%swap3A, %swap3A_119] {strides = array<i32>} : memref<64x384xi32, #tpu.memory_space<vmem>>, vector<1x16xi32>,
      %swap3A_121 = vector.shape_cast %swap3A_120 : vector<1x16xi32> to vector<16xi32>
      %swap3A_122 = vector.shape_cast %and3A_118 : vector<16xi32> to vector<1x16xi32>
      tpu.vector_store %arg10[%swap3A, %swap3A_119], %swap3A_122 {strides = array<i32>} : memref<64x384xi32, #tpu.memory_space<vmem>>, vector<1x16xi32>,
    }
    %scan3A_71 = arith.constant 1536 : i32
    %scan3A_72 = arith.constant 0 : i32
    %scan3A_73 = arith.constant 0 : i32
    %scan3A_74 = arith.constant 512 : i32
    %scan3A_75 = arith.addi %scan3A_73, %scan3A_74 : i32
    %scan3A_76 = arith.constant 1 : i32
    scf.for %scan3A_78 = %scan3A_73 to %scan3A_75 step %scan3A_76  : i32 {
      %jit3A = arith.constant 8 : i32
      %div3A = arith.divsi %scan3A_78, %jit3A : i32
      %sign3A = arith.constant 0 : i32
      %sign3A_79 = arith.cmpi sgt, %scan3A_78, %sign3A : i32
      %sign3A_80 = arith.extui %sign3A_79 : i1 to i32
      %sign3A_81 = arith.constant 0 : i32
      %sign3A_82 = arith.cmpi slt, %scan3A_78, %sign3A_81 : i32
      %sign3A_83 = arith.extui %sign3A_82 : i1 to i32
      %sign3A_84 = arith.subi %sign3A_80, %sign3A_83 : i32
      %sign3A_85 = arith.constant 0 : i32
      %sign3A_86 = arith.cmpi sgt, %jit3A, %sign3A_85 : i32
      %sign3A_87 = arith.extui %sign3A_86 : i1 to i32
      %sign3A_88 = arith.constant 0 : i32
      %sign3A_89 = arith.cmpi slt, %jit3A, %sign3A_88 : i32
      %sign3A_90 = arith.extui %sign3A_89 : i1 to i32
      %sign3A_91 = arith.subi %sign3A_87, %sign3A_90 : i32
      %ne3A = arith.cmpi ne, %sign3A_84, %sign3A_91 : i32
      %rem3A = arith.remsi %scan3A_78, %jit3A : i32
      %ne3A_92 = arith.constant 0 : i32
      %ne3A_93 = arith.cmpi ne, %rem3A, %ne3A_92 : i32
      %and3A = arith.andi %ne3A, %ne3A_93 : i1
      %sub3A = arith.constant 1 : i32
      %sub3A_94 = arith.subi %div3A, %sub3A : i32
      %select_n3A = arith.select %and3A, %sub3A_94, %div3A : i32
      %jit3A_95 = arith.constant 8 : i32
      %eq3A = arith.constant 0 : i32
      %eq3A_96 = arith.cmpi eq, %jit3A_95, %eq3A : i32
      %jit3A_97 = arith.constant 1 : i32
      %select_n3A_98 = arith.select %eq3A_96, %jit3A_97, %jit3A_95 : i32
      %rem3A_99 = arith.remsi %scan3A_78, %select_n3A_98 : i32
      %ne3A_100 = arith.constant 0 : i32
      %ne3A_101 = arith.cmpi ne, %rem3A_99, %ne3A_100 : i32
      %lt3A = arith.constant 0 : i32
      %lt3A_102 = arith.cmpi slt, %rem3A_99, %lt3A : i32
      %lt3A_103 = arith.constant 0 : i32
      %lt3A_104 = arith.cmpi slt, %select_n3A_98, %lt3A_103 : i32
      %ne3A_105 = arith.xori %lt3A_102, %lt3A_104 : i1
      %and3A_106 = arith.andi %ne3A_105, %ne3A_101 : i1
      %add3A_107 = arith.addi %rem3A_99, %select_n3A_98 : i32
      %select_n3A_108 = arith.select %and3A_106, %add3A_107, %rem3A_99 : i32
      %mul3A_109 = arith.constant 16 : i32
      %mul3A_110 = arith.muli %select_n3A_108, %mul3A_109 : i32
      %get3A = arith.index_cast %select_n3A : i32 to index
      %get3A_111 = arith.index_cast %mul3A_110 : i32 to index
      %get3A_112 = tpu.vector_load %arg12[%get3A, %get3A_111] {strides = array<i32>} : memref<64x128xf32, #tpu.memory_space<vmem>>, vector<1x16xf32>,
      %get3A_113 = vector.shape_cast %get3A_112 : vector<1x16xf32> to vector<16xf32>
      %get3A_114 = arith.index_cast %select_n3A : i32 to index
      %get3A_115 = arith.index_cast %mul3A_110 : i32 to index
      %get3A_116 = tpu.vector_load %arg13[%get3A_114, %get3A_115] {strides = array<i32>} : memref<64x128xf32, #tpu.memory_space<vmem>>, vector<1x16xf32>,
      %get3A_117 = vector.shape_cast %get3A_116 : vector<1x16xf32> to vector<16xf32>
      %mul3A_118 = arith.mulf %get3A_113, %get3A_117 : vector<16xf32>
      %swap3A = arith.index_cast %select_n3A : i32 to index
      %swap3A_119 = arith.index_cast %mul3A_110 : i32 to index
      %swap3A_120 = tpu.vector_load %arg12[%swap3A, %swap3A_119] {strides = array<i32>} : memref<64x128xf32, #tpu.memory_space<vmem>>, vector<1x16xf32>,
      %swap3A_121 = vector.shape_cast %swap3A_120 : vector<1x16xf32> to vector<16xf32>
      %swap3A_122 = vector.shape_cast %mul3A_118 : vector<16xf32> to vector<1x16xf32>
      tpu.vector_store %arg12[%swap3A, %swap3A_119], %swap3A_122 {strides = array<i32>} : memref<64x128xf32, #tpu.memory_space<vmem>>, vector<1x16xf32>,
    }
    %scan3A_77 = arith.constant 512 : i32
    "tpu.region"() ({
      %run_scoped3A = tpu.sem_alloc : memref<!tpu.dma_semaphore, #tpu.memory_space<semaphore_mem>>
      %dma_start3A_78 = arith.constant 0 : i32
      %dma_start3A_79 = tpu.memref_slice %arg6[%add3A_41, %dma_start3A_78] : memref<4096x384xi32, #tpu.memory_space<hbm>> -> memref<64x384xi32, #tpu.memory_space<hbm>>
      %dma_start3A_80 = arith.constant 0 : i32
      %dma_start3A_81 = tpu.memref_slice %arg6[%add3A_41, %dma_start3A_80] : memref<4096x384xi32, #tpu.memory_space<hbm>> -> memref<64x384xi32, #tpu.memory_space<hbm>>
      tpu.enqueue_dma source(%arg10 : memref<64x384xi32, #tpu.memory_space<vmem>>) target(%dma_start3A_81 : memref<64x384xi32, #tpu.memory_space<hbm>>) target_semaphore(%run_scoped3A : memref<!tpu.dma_semaphore, #tpu.memory_space<semaphore_mem>>)
      %dma_wait3A_82 = arith.constant 0 : i32
      %dma_wait3A_83 = tpu.memref_slice %arg6[%add3A_41, %dma_wait3A_82] : memref<4096x384xi32, #tpu.memory_space<hbm>> -> memref<64x384xi32, #tpu.memory_space<hbm>>
      %dma_wait3A_84 = arith.constant 0 : i32
      %dma_wait3A_85 = tpu.memref_slice %arg6[%add3A_41, %dma_wait3A_84] : memref<4096x384xi32, #tpu.memory_space<hbm>> -> memref<64x384xi32, #tpu.memory_space<hbm>>
      tpu.wait_dma2 semaphore(%run_scoped3A : memref<!tpu.dma_semaphore, #tpu.memory_space<semaphore_mem>>) src(%arg10 : memref<64x384xi32, #tpu.memory_space<vmem>>) dst(%dma_wait3A_85 : memref<64x384xi32, #tpu.memory_space<hbm>>)
      tpu.yield
    }) : () -> ()
    "tpu.region"() ({
      %run_scoped3A = tpu.sem_alloc : memref<!tpu.dma_semaphore, #tpu.memory_space<semaphore_mem>>
      %dma_start3A_78 = arith.constant 0 : i32
      %dma_start3A_79 = tpu.memref_slice %arg7[%add3A_41, %dma_start3A_78] : memref<4096x128xf32, #tpu.memory_space<hbm>> -> memref<64x128xf32, #tpu.memory_space<hbm>>
      %dma_start3A_80 = arith.constant 0 : i32
      %dma_start3A_81 = tpu.memref_slice %arg7[%add3A_41, %dma_start3A_80] : memref<4096x128xf32, #tpu.memory_space<hbm>> -> memref<64x128xf32, #tpu.memory_space<hbm>>
      tpu.enqueue_dma source(%arg12 : memref<64x128xf32, #tpu.memory_space<vmem>>) target(%dma_start3A_81 : memref<64x128xf32, #tpu.memory_space<hbm>>) target_semaphore(%run_scoped3A : memref<!tpu.dma_semaphore, #tpu.memory_space<semaphore_mem>>)
      %dma_wait3A_82 = arith.constant 0 : i32
      %dma_wait3A_83 = tpu.memref_slice %arg7[%add3A_41, %dma_wait3A_82] : memref<4096x128xf32, #tpu.memory_space<hbm>> -> memref<64x128xf32, #tpu.memory_space<hbm>>
      %dma_wait3A_84 = arith.constant 0 : i32
      %dma_wait3A_85 = tpu.memref_slice %arg7[%add3A_41, %dma_wait3A_84] : memref<4096x128xf32, #tpu.memory_space<hbm>> -> memref<64x128xf32, #tpu.memory_space<hbm>>
      tpu.wait_dma2 semaphore(%run_scoped3A : memref<!tpu.dma_semaphore, #tpu.memory_space<semaphore_mem>>) src(%arg12 : memref<64x128xf32, #tpu.memory_space<vmem>>) dst(%dma_wait3A_85 : memref<64x128xf32, #tpu.memory_space<hbm>>)
      tpu.yield
    }) : () -> ()
    return
  }
}

module attributes {stable_mosaic.version = 14 : i64} {
  func.func @_mlp_body(%arg0: i32, %arg1: memref<256x384xi32, #tpu.memory_space<vmem>>, %arg2: memref<256x128xf32, #tpu.memory_space<vmem>>, %arg3: memref<32x384x128xf32, #tpu.memory_space<vmem>>, %arg4: memref<1x1xf32, #tpu.memory_space<vmem>>, %arg5: memref<128x256xf32, #tpu.memory_space<vmem>>, %arg6: memref<1x256xf32, #tpu.memory_space<vmem>>, %arg7: memref<256x256xf32, #tpu.memory_space<vmem>>, %arg8: memref<1x256xf32, #tpu.memory_space<vmem>>, %arg9: memref<256x256xf32, #tpu.memory_space<vmem>>, %arg10: memref<1x256xf32, #tpu.memory_space<vmem>>, %arg11: memref<128x256xf32, #tpu.memory_space<vmem>>, %arg12: memref<1x256xf32, #tpu.memory_space<vmem>>, %arg13: memref<256x256xf32, #tpu.memory_space<vmem>>, %arg14: memref<1x256xf32, #tpu.memory_space<vmem>>, %arg15: memref<256x256xf32, #tpu.memory_space<vmem>>, %arg16: memref<1x256xf32, #tpu.memory_space<vmem>>, %arg17: memref<256x1xf32, #tpu.memory_space<vmem>>, %arg18: memref<1x1xf32, #tpu.memory_space<vmem>>, %arg19: memref<256x1xf32, #tpu.memory_space<vmem>>) attributes {dimension_semantics = [#tpu.dimension_semantics<arbitrary>], iteration_bounds = array<i64: 16>, scalar_prefetch = 0 : i64, scratch_operands = 0 : i64, tpu.core_type = #tpu.core_type<tc>, window_params = [{transform_indices = @transform_0, window_bounds = array<i64: 256, 384>}, {transform_indices = @transform_1, window_bounds = array<i64: 256, 128>}, {pipeline_mode = #tpu.pipeline_mode<synchronous>, transform_indices = @transform_2, window_bounds = array<i64: 32, 384, 128>}, {pipeline_mode = #tpu.pipeline_mode<synchronous>, transform_indices = @transform_3, window_bounds = array<i64: 1, 1>}, {pipeline_mode = #tpu.pipeline_mode<synchronous>, transform_indices = @transform_4, window_bounds = array<i64: 128, 256>}, {pipeline_mode = #tpu.pipeline_mode<synchronous>, transform_indices = @transform_5, window_bounds = array<i64: 1, 256>}, {pipeline_mode = #tpu.pipeline_mode<synchronous>, transform_indices = @transform_6, window_bounds = array<i64: 256, 256>}, {pipeline_mode = #tpu.pipeline_mode<synchronous>, transform_indices = @transform_7, window_bounds = array<i64: 1, 256>}, {pipeline_mode = #tpu.pipeline_mode<synchronous>, transform_indices = @transform_8, window_bounds = array<i64: 256, 256>}, {pipeline_mode = #tpu.pipeline_mode<synchronous>, transform_indices = @transform_9, window_bounds = array<i64: 1, 256>}, {pipeline_mode = #tpu.pipeline_mode<synchronous>, transform_indices = @transform_10, window_bounds = array<i64: 128, 256>}, {pipeline_mode = #tpu.pipeline_mode<synchronous>, transform_indices = @transform_11, window_bounds = array<i64: 1, 256>}, {pipeline_mode = #tpu.pipeline_mode<synchronous>, transform_indices = @transform_12, window_bounds = array<i64: 256, 256>}, {pipeline_mode = #tpu.pipeline_mode<synchronous>, transform_indices = @transform_13, window_bounds = array<i64: 1, 256>}, {pipeline_mode = #tpu.pipeline_mode<synchronous>, transform_indices = @transform_14, window_bounds = array<i64: 256, 256>}, {pipeline_mode = #tpu.pipeline_mode<synchronous>, transform_indices = @transform_15, window_bounds = array<i64: 1, 256>}, {pipeline_mode = #tpu.pipeline_mode<synchronous>, transform_indices = @transform_16, window_bounds = array<i64: 256, 1>}, {pipeline_mode = #tpu.pipeline_mode<synchronous>, transform_indices = @transform_17, window_bounds = array<i64: 1, 1>}, {transform_indices = @transform_18, window_bounds = array<i64: 256, 1>}]} {
    %get3A = arith.constant 0 : index
    %get3A_0 = arith.constant 0 : index
    %get3A_1 = vector.load %arg1[%get3A, %get3A_0] : memref<256x384xi32, #tpu.memory_space<vmem>>, vector<256x384xi32>
    %broadcast_in_dim3A = arith.constant 0.000000e+00 : f32
    %broadcast_in_dim3A_2 = vector.broadcast %broadcast_in_dim3A : f32 to vector<256x128xf32>
    %shift_right_arithmetic3A = arith.constant 0 : i32
    %shift_right_arithmetic3A_3 = vector.broadcast %shift_right_arithmetic3A : i32 to vector<256x384xi32>
    %shift_right_arithmetic3A_4 = arith.shrsi %get3A_1, %shift_right_arithmetic3A_3 : vector<256x384xi32>
    %and3A = arith.constant 1 : i32
    %and3A_5 = vector.broadcast %and3A : i32 to vector<256x384xi32>
    %and3A_6 = arith.andi %shift_right_arithmetic3A_4, %and3A_5 : vector<256x384xi32>
    %convert_element_type3A = arith.sitofp %and3A_6 : vector<256x384xi32> to vector<256x384xf32>
    %get3A_7 = arith.constant 0 : index
    %get3A_8 = arith.constant 0 : index
    %get3A_9 = arith.constant 0 : index
    %get3A_10 = vector.load %arg3[%get3A_7, %get3A_8, %get3A_9] : memref<32x384x128xf32, #tpu.memory_space<vmem>>, vector<1x384x128xf32>
    %get3A_11 = vector.shape_cast %get3A_10 : vector<1x384x128xf32> to vector<384x128xf32>
    %dot_general3A = arith.constant dense<0.000000e+00> : vector<256x128xf32>
    %dot_general3A_12 = tpu.matmul %convert_element_type3A, %get3A_11, %dot_general3A {dimension_numbers = #tpu.dot_dimension_numbers<[1], [0], [0], [1], [0, 0, 1, 1], [], []>, transpose_lhs_hint = false} : vector<256x384xf32>, vector<384x128xf32>, vector<256x128xf32> -> vector<256x128xf32>
    %add3A = arith.addf %broadcast_in_dim3A_2, %dot_general3A_12 : vector<256x128xf32>
    %shift_right_arithmetic3A_13 = arith.constant 1 : i32
    %shift_right_arithmetic3A_14 = vector.broadcast %shift_right_arithmetic3A_13 : i32 to vector<256x384xi32>
    %shift_right_arithmetic3A_15 = arith.shrsi %get3A_1, %shift_right_arithmetic3A_14 : vector<256x384xi32>
    %and3A_16 = arith.constant 1 : i32
    %and3A_17 = vector.broadcast %and3A_16 : i32 to vector<256x384xi32>
    %and3A_18 = arith.andi %shift_right_arithmetic3A_15, %and3A_17 : vector<256x384xi32>
    %convert_element_type3A_19 = arith.sitofp %and3A_18 : vector<256x384xi32> to vector<256x384xf32>
    %get3A_20 = arith.constant 1 : index
    %get3A_21 = arith.constant 0 : index
    %get3A_22 = arith.constant 0 : index
    %get3A_23 = vector.load %arg3[%get3A_20, %get3A_21, %get3A_22] : memref<32x384x128xf32, #tpu.memory_space<vmem>>, vector<1x384x128xf32>
    %get3A_24 = vector.shape_cast %get3A_23 : vector<1x384x128xf32> to vector<384x128xf32>
    %dot_general3A_25 = arith.constant dense<0.000000e+00> : vector<256x128xf32>
    %dot_general3A_26 = tpu.matmul %convert_element_type3A_19, %get3A_24, %dot_general3A_25 {dimension_numbers = #tpu.dot_dimension_numbers<[1], [0], [0], [1], [0, 0, 1, 1], [], []>, transpose_lhs_hint = false} : vector<256x384xf32>, vector<384x128xf32>, vector<256x128xf32> -> vector<256x128xf32>
    %add3A_27 = arith.addf %add3A, %dot_general3A_26 : vector<256x128xf32>
    %shift_right_arithmetic3A_28 = arith.constant 2 : i32
    %shift_right_arithmetic3A_29 = vector.broadcast %shift_right_arithmetic3A_28 : i32 to vector<256x384xi32>
    %shift_right_arithmetic3A_30 = arith.shrsi %get3A_1, %shift_right_arithmetic3A_29 : vector<256x384xi32>
    %and3A_31 = arith.constant 1 : i32
    %and3A_32 = vector.broadcast %and3A_31 : i32 to vector<256x384xi32>
    %and3A_33 = arith.andi %shift_right_arithmetic3A_30, %and3A_32 : vector<256x384xi32>
    %convert_element_type3A_34 = arith.sitofp %and3A_33 : vector<256x384xi32> to vector<256x384xf32>
    %get3A_35 = arith.constant 2 : index
    %get3A_36 = arith.constant 0 : index
    %get3A_37 = arith.constant 0 : index
    %get3A_38 = vector.load %arg3[%get3A_35, %get3A_36, %get3A_37] : memref<32x384x128xf32, #tpu.memory_space<vmem>>, vector<1x384x128xf32>
    %get3A_39 = vector.shape_cast %get3A_38 : vector<1x384x128xf32> to vector<384x128xf32>
    %dot_general3A_40 = arith.constant dense<0.000000e+00> : vector<256x128xf32>
    %dot_general3A_41 = tpu.matmul %convert_element_type3A_34, %get3A_39, %dot_general3A_40 {dimension_numbers = #tpu.dot_dimension_numbers<[1], [0], [0], [1], [0, 0, 1, 1], [], []>, transpose_lhs_hint = false} : vector<256x384xf32>, vector<384x128xf32>, vector<256x128xf32> -> vector<256x128xf32>
    %add3A_42 = arith.addf %add3A_27, %dot_general3A_41 : vector<256x128xf32>
    %shift_right_arithmetic3A_43 = arith.constant 3 : i32
    %shift_right_arithmetic3A_44 = vector.broadcast %shift_right_arithmetic3A_43 : i32 to vector<256x384xi32>
    %shift_right_arithmetic3A_45 = arith.shrsi %get3A_1, %shift_right_arithmetic3A_44 : vector<256x384xi32>
    %and3A_46 = arith.constant 1 : i32
    %and3A_47 = vector.broadcast %and3A_46 : i32 to vector<256x384xi32>
    %and3A_48 = arith.andi %shift_right_arithmetic3A_45, %and3A_47 : vector<256x384xi32>
    %convert_element_type3A_49 = arith.sitofp %and3A_48 : vector<256x384xi32> to vector<256x384xf32>
    %get3A_50 = arith.constant 3 : index
    %get3A_51 = arith.constant 0 : index
    %get3A_52 = arith.constant 0 : index
    %get3A_53 = vector.load %arg3[%get3A_50, %get3A_51, %get3A_52] : memref<32x384x128xf32, #tpu.memory_space<vmem>>, vector<1x384x128xf32>
    %get3A_54 = vector.shape_cast %get3A_53 : vector<1x384x128xf32> to vector<384x128xf32>
    %dot_general3A_55 = arith.constant dense<0.000000e+00> : vector<256x128xf32>
    %dot_general3A_56 = tpu.matmul %convert_element_type3A_49, %get3A_54, %dot_general3A_55 {dimension_numbers = #tpu.dot_dimension_numbers<[1], [0], [0], [1], [0, 0, 1, 1], [], []>, transpose_lhs_hint = false} : vector<256x384xf32>, vector<384x128xf32>, vector<256x128xf32> -> vector<256x128xf32>
    %add3A_57 = arith.addf %add3A_42, %dot_general3A_56 : vector<256x128xf32>
    %shift_right_arithmetic3A_58 = arith.constant 4 : i32
    %shift_right_arithmetic3A_59 = vector.broadcast %shift_right_arithmetic3A_58 : i32 to vector<256x384xi32>
    %shift_right_arithmetic3A_60 = arith.shrsi %get3A_1, %shift_right_arithmetic3A_59 : vector<256x384xi32>
    %and3A_61 = arith.constant 1 : i32
    %and3A_62 = vector.broadcast %and3A_61 : i32 to vector<256x384xi32>
    %and3A_63 = arith.andi %shift_right_arithmetic3A_60, %and3A_62 : vector<256x384xi32>
    %convert_element_type3A_64 = arith.sitofp %and3A_63 : vector<256x384xi32> to vector<256x384xf32>
    %get3A_65 = arith.constant 4 : index
    %get3A_66 = arith.constant 0 : index
    %get3A_67 = arith.constant 0 : index
    %get3A_68 = vector.load %arg3[%get3A_65, %get3A_66, %get3A_67] : memref<32x384x128xf32, #tpu.memory_space<vmem>>, vector<1x384x128xf32>
    %get3A_69 = vector.shape_cast %get3A_68 : vector<1x384x128xf32> to vector<384x128xf32>
    %dot_general3A_70 = arith.constant dense<0.000000e+00> : vector<256x128xf32>
    %dot_general3A_71 = tpu.matmul %convert_element_type3A_64, %get3A_69, %dot_general3A_70 {dimension_numbers = #tpu.dot_dimension_numbers<[1], [0], [0], [1], [0, 0, 1, 1], [], []>, transpose_lhs_hint = false} : vector<256x384xf32>, vector<384x128xf32>, vector<256x128xf32> -> vector<256x128xf32>
    %add3A_72 = arith.addf %add3A_57, %dot_general3A_71 : vector<256x128xf32>
    %shift_right_arithmetic3A_73 = arith.constant 5 : i32
    %shift_right_arithmetic3A_74 = vector.broadcast %shift_right_arithmetic3A_73 : i32 to vector<256x384xi32>
    %shift_right_arithmetic3A_75 = arith.shrsi %get3A_1, %shift_right_arithmetic3A_74 : vector<256x384xi32>
    %and3A_76 = arith.constant 1 : i32
    %and3A_77 = vector.broadcast %and3A_76 : i32 to vector<256x384xi32>
    %and3A_78 = arith.andi %shift_right_arithmetic3A_75, %and3A_77 : vector<256x384xi32>
    %convert_element_type3A_79 = arith.sitofp %and3A_78 : vector<256x384xi32> to vector<256x384xf32>
    %get3A_80 = arith.constant 5 : index
    %get3A_81 = arith.constant 0 : index
    %get3A_82 = arith.constant 0 : index
    %get3A_83 = vector.load %arg3[%get3A_80, %get3A_81, %get3A_82] : memref<32x384x128xf32, #tpu.memory_space<vmem>>, vector<1x384x128xf32>
    %get3A_84 = vector.shape_cast %get3A_83 : vector<1x384x128xf32> to vector<384x128xf32>
    %dot_general3A_85 = arith.constant dense<0.000000e+00> : vector<256x128xf32>
    %dot_general3A_86 = tpu.matmul %convert_element_type3A_79, %get3A_84, %dot_general3A_85 {dimension_numbers = #tpu.dot_dimension_numbers<[1], [0], [0], [1], [0, 0, 1, 1], [], []>, transpose_lhs_hint = false} : vector<256x384xf32>, vector<384x128xf32>, vector<256x128xf32> -> vector<256x128xf32>
    %add3A_87 = arith.addf %add3A_72, %dot_general3A_86 : vector<256x128xf32>
    %shift_right_arithmetic3A_88 = arith.constant 6 : i32
    %shift_right_arithmetic3A_89 = vector.broadcast %shift_right_arithmetic3A_88 : i32 to vector<256x384xi32>
    %shift_right_arithmetic3A_90 = arith.shrsi %get3A_1, %shift_right_arithmetic3A_89 : vector<256x384xi32>
    %and3A_91 = arith.constant 1 : i32
    %and3A_92 = vector.broadcast %and3A_91 : i32 to vector<256x384xi32>
    %and3A_93 = arith.andi %shift_right_arithmetic3A_90, %and3A_92 : vector<256x384xi32>
    %convert_element_type3A_94 = arith.sitofp %and3A_93 : vector<256x384xi32> to vector<256x384xf32>
    %get3A_95 = arith.constant 6 : index
    %get3A_96 = arith.constant 0 : index
    %get3A_97 = arith.constant 0 : index
    %get3A_98 = vector.load %arg3[%get3A_95, %get3A_96, %get3A_97] : memref<32x384x128xf32, #tpu.memory_space<vmem>>, vector<1x384x128xf32>
    %get3A_99 = vector.shape_cast %get3A_98 : vector<1x384x128xf32> to vector<384x128xf32>
    %dot_general3A_100 = arith.constant dense<0.000000e+00> : vector<256x128xf32>
    %dot_general3A_101 = tpu.matmul %convert_element_type3A_94, %get3A_99, %dot_general3A_100 {dimension_numbers = #tpu.dot_dimension_numbers<[1], [0], [0], [1], [0, 0, 1, 1], [], []>, transpose_lhs_hint = false} : vector<256x384xf32>, vector<384x128xf32>, vector<256x128xf32> -> vector<256x128xf32>
    %add3A_102 = arith.addf %add3A_87, %dot_general3A_101 : vector<256x128xf32>
    %shift_right_arithmetic3A_103 = arith.constant 7 : i32
    %shift_right_arithmetic3A_104 = vector.broadcast %shift_right_arithmetic3A_103 : i32 to vector<256x384xi32>
    %shift_right_arithmetic3A_105 = arith.shrsi %get3A_1, %shift_right_arithmetic3A_104 : vector<256x384xi32>
    %and3A_106 = arith.constant 1 : i32
    %and3A_107 = vector.broadcast %and3A_106 : i32 to vector<256x384xi32>
    %and3A_108 = arith.andi %shift_right_arithmetic3A_105, %and3A_107 : vector<256x384xi32>
    %convert_element_type3A_109 = arith.sitofp %and3A_108 : vector<256x384xi32> to vector<256x384xf32>
    %get3A_110 = arith.constant 7 : index
    %get3A_111 = arith.constant 0 : index
    %get3A_112 = arith.constant 0 : index
    %get3A_113 = vector.load %arg3[%get3A_110, %get3A_111, %get3A_112] : memref<32x384x128xf32, #tpu.memory_space<vmem>>, vector<1x384x128xf32>
    %get3A_114 = vector.shape_cast %get3A_113 : vector<1x384x128xf32> to vector<384x128xf32>
    %dot_general3A_115 = arith.constant dense<0.000000e+00> : vector<256x128xf32>
    %dot_general3A_116 = tpu.matmul %convert_element_type3A_109, %get3A_114, %dot_general3A_115 {dimension_numbers = #tpu.dot_dimension_numbers<[1], [0], [0], [1], [0, 0, 1, 1], [], []>, transpose_lhs_hint = false} : vector<256x384xf32>, vector<384x128xf32>, vector<256x128xf32> -> vector<256x128xf32>
    %add3A_117 = arith.addf %add3A_102, %dot_general3A_116 : vector<256x128xf32>
    %shift_right_arithmetic3A_118 = arith.constant 8 : i32
    %shift_right_arithmetic3A_119 = vector.broadcast %shift_right_arithmetic3A_118 : i32 to vector<256x384xi32>
    %shift_right_arithmetic3A_120 = arith.shrsi %get3A_1, %shift_right_arithmetic3A_119 : vector<256x384xi32>
    %and3A_121 = arith.constant 1 : i32
    %and3A_122 = vector.broadcast %and3A_121 : i32 to vector<256x384xi32>
    %and3A_123 = arith.andi %shift_right_arithmetic3A_120, %and3A_122 : vector<256x384xi32>
    %convert_element_type3A_124 = arith.sitofp %and3A_123 : vector<256x384xi32> to vector<256x384xf32>
    %get3A_125 = arith.constant 8 : index
    %get3A_126 = arith.constant 0 : index
    %get3A_127 = arith.constant 0 : index
    %get3A_128 = vector.load %arg3[%get3A_125, %get3A_126, %get3A_127] : memref<32x384x128xf32, #tpu.memory_space<vmem>>, vector<1x384x128xf32>
    %get3A_129 = vector.shape_cast %get3A_128 : vector<1x384x128xf32> to vector<384x128xf32>
    %dot_general3A_130 = arith.constant dense<0.000000e+00> : vector<256x128xf32>
    %dot_general3A_131 = tpu.matmul %convert_element_type3A_124, %get3A_129, %dot_general3A_130 {dimension_numbers = #tpu.dot_dimension_numbers<[1], [0], [0], [1], [0, 0, 1, 1], [], []>, transpose_lhs_hint = false} : vector<256x384xf32>, vector<384x128xf32>, vector<256x128xf32> -> vector<256x128xf32>
    %add3A_132 = arith.addf %add3A_117, %dot_general3A_131 : vector<256x128xf32>
    %shift_right_arithmetic3A_133 = arith.constant 9 : i32
    %shift_right_arithmetic3A_134 = vector.broadcast %shift_right_arithmetic3A_133 : i32 to vector<256x384xi32>
    %shift_right_arithmetic3A_135 = arith.shrsi %get3A_1, %shift_right_arithmetic3A_134 : vector<256x384xi32>
    %and3A_136 = arith.constant 1 : i32
    %and3A_137 = vector.broadcast %and3A_136 : i32 to vector<256x384xi32>
    %and3A_138 = arith.andi %shift_right_arithmetic3A_135, %and3A_137 : vector<256x384xi32>
    %convert_element_type3A_139 = arith.sitofp %and3A_138 : vector<256x384xi32> to vector<256x384xf32>
    %get3A_140 = arith.constant 9 : index
    %get3A_141 = arith.constant 0 : index
    %get3A_142 = arith.constant 0 : index
    %get3A_143 = vector.load %arg3[%get3A_140, %get3A_141, %get3A_142] : memref<32x384x128xf32, #tpu.memory_space<vmem>>, vector<1x384x128xf32>
    %get3A_144 = vector.shape_cast %get3A_143 : vector<1x384x128xf32> to vector<384x128xf32>
    %dot_general3A_145 = arith.constant dense<0.000000e+00> : vector<256x128xf32>
    %dot_general3A_146 = tpu.matmul %convert_element_type3A_139, %get3A_144, %dot_general3A_145 {dimension_numbers = #tpu.dot_dimension_numbers<[1], [0], [0], [1], [0, 0, 1, 1], [], []>, transpose_lhs_hint = false} : vector<256x384xf32>, vector<384x128xf32>, vector<256x128xf32> -> vector<256x128xf32>
    %add3A_147 = arith.addf %add3A_132, %dot_general3A_146 : vector<256x128xf32>
    %shift_right_arithmetic3A_148 = arith.constant 10 : i32
    %shift_right_arithmetic3A_149 = vector.broadcast %shift_right_arithmetic3A_148 : i32 to vector<256x384xi32>
    %shift_right_arithmetic3A_150 = arith.shrsi %get3A_1, %shift_right_arithmetic3A_149 : vector<256x384xi32>
    %and3A_151 = arith.constant 1 : i32
    %and3A_152 = vector.broadcast %and3A_151 : i32 to vector<256x384xi32>
    %and3A_153 = arith.andi %shift_right_arithmetic3A_150, %and3A_152 : vector<256x384xi32>
    %convert_element_type3A_154 = arith.sitofp %and3A_153 : vector<256x384xi32> to vector<256x384xf32>
    %get3A_155 = arith.constant 10 : index
    %get3A_156 = arith.constant 0 : index
    %get3A_157 = arith.constant 0 : index
    %get3A_158 = vector.load %arg3[%get3A_155, %get3A_156, %get3A_157] : memref<32x384x128xf32, #tpu.memory_space<vmem>>, vector<1x384x128xf32>
    %get3A_159 = vector.shape_cast %get3A_158 : vector<1x384x128xf32> to vector<384x128xf32>
    %dot_general3A_160 = arith.constant dense<0.000000e+00> : vector<256x128xf32>
    %dot_general3A_161 = tpu.matmul %convert_element_type3A_154, %get3A_159, %dot_general3A_160 {dimension_numbers = #tpu.dot_dimension_numbers<[1], [0], [0], [1], [0, 0, 1, 1], [], []>, transpose_lhs_hint = false} : vector<256x384xf32>, vector<384x128xf32>, vector<256x128xf32> -> vector<256x128xf32>
    %add3A_162 = arith.addf %add3A_147, %dot_general3A_161 : vector<256x128xf32>
    %shift_right_arithmetic3A_163 = arith.constant 11 : i32
    %shift_right_arithmetic3A_164 = vector.broadcast %shift_right_arithmetic3A_163 : i32 to vector<256x384xi32>
    %shift_right_arithmetic3A_165 = arith.shrsi %get3A_1, %shift_right_arithmetic3A_164 : vector<256x384xi32>
    %and3A_166 = arith.constant 1 : i32
    %and3A_167 = vector.broadcast %and3A_166 : i32 to vector<256x384xi32>
    %and3A_168 = arith.andi %shift_right_arithmetic3A_165, %and3A_167 : vector<256x384xi32>
    %convert_element_type3A_169 = arith.sitofp %and3A_168 : vector<256x384xi32> to vector<256x384xf32>
    %get3A_170 = arith.constant 11 : index
    %get3A_171 = arith.constant 0 : index
    %get3A_172 = arith.constant 0 : index
    %get3A_173 = vector.load %arg3[%get3A_170, %get3A_171, %get3A_172] : memref<32x384x128xf32, #tpu.memory_space<vmem>>, vector<1x384x128xf32>
    %get3A_174 = vector.shape_cast %get3A_173 : vector<1x384x128xf32> to vector<384x128xf32>
    %dot_general3A_175 = arith.constant dense<0.000000e+00> : vector<256x128xf32>
    %dot_general3A_176 = tpu.matmul %convert_element_type3A_169, %get3A_174, %dot_general3A_175 {dimension_numbers = #tpu.dot_dimension_numbers<[1], [0], [0], [1], [0, 0, 1, 1], [], []>, transpose_lhs_hint = false} : vector<256x384xf32>, vector<384x128xf32>, vector<256x128xf32> -> vector<256x128xf32>
    %add3A_177 = arith.addf %add3A_162, %dot_general3A_176 : vector<256x128xf32>
    %shift_right_arithmetic3A_178 = arith.constant 12 : i32
    %shift_right_arithmetic3A_179 = vector.broadcast %shift_right_arithmetic3A_178 : i32 to vector<256x384xi32>
    %shift_right_arithmetic3A_180 = arith.shrsi %get3A_1, %shift_right_arithmetic3A_179 : vector<256x384xi32>
    %and3A_181 = arith.constant 1 : i32
    %and3A_182 = vector.broadcast %and3A_181 : i32 to vector<256x384xi32>
    %and3A_183 = arith.andi %shift_right_arithmetic3A_180, %and3A_182 : vector<256x384xi32>
    %convert_element_type3A_184 = arith.sitofp %and3A_183 : vector<256x384xi32> to vector<256x384xf32>
    %get3A_185 = arith.constant 12 : index
    %get3A_186 = arith.constant 0 : index
    %get3A_187 = arith.constant 0 : index
    %get3A_188 = vector.load %arg3[%get3A_185, %get3A_186, %get3A_187] : memref<32x384x128xf32, #tpu.memory_space<vmem>>, vector<1x384x128xf32>
    %get3A_189 = vector.shape_cast %get3A_188 : vector<1x384x128xf32> to vector<384x128xf32>
    %dot_general3A_190 = arith.constant dense<0.000000e+00> : vector<256x128xf32>
    %dot_general3A_191 = tpu.matmul %convert_element_type3A_184, %get3A_189, %dot_general3A_190 {dimension_numbers = #tpu.dot_dimension_numbers<[1], [0], [0], [1], [0, 0, 1, 1], [], []>, transpose_lhs_hint = false} : vector<256x384xf32>, vector<384x128xf32>, vector<256x128xf32> -> vector<256x128xf32>
    %add3A_192 = arith.addf %add3A_177, %dot_general3A_191 : vector<256x128xf32>
    %shift_right_arithmetic3A_193 = arith.constant 13 : i32
    %shift_right_arithmetic3A_194 = vector.broadcast %shift_right_arithmetic3A_193 : i32 to vector<256x384xi32>
    %shift_right_arithmetic3A_195 = arith.shrsi %get3A_1, %shift_right_arithmetic3A_194 : vector<256x384xi32>
    %and3A_196 = arith.constant 1 : i32
    %and3A_197 = vector.broadcast %and3A_196 : i32 to vector<256x384xi32>
    %and3A_198 = arith.andi %shift_right_arithmetic3A_195, %and3A_197 : vector<256x384xi32>
    %convert_element_type3A_199 = arith.sitofp %and3A_198 : vector<256x384xi32> to vector<256x384xf32>
    %get3A_200 = arith.constant 13 : index
    %get3A_201 = arith.constant 0 : index
    %get3A_202 = arith.constant 0 : index
    %get3A_203 = vector.load %arg3[%get3A_200, %get3A_201, %get3A_202] : memref<32x384x128xf32, #tpu.memory_space<vmem>>, vector<1x384x128xf32>
    %get3A_204 = vector.shape_cast %get3A_203 : vector<1x384x128xf32> to vector<384x128xf32>
    %dot_general3A_205 = arith.constant dense<0.000000e+00> : vector<256x128xf32>
    %dot_general3A_206 = tpu.matmul %convert_element_type3A_199, %get3A_204, %dot_general3A_205 {dimension_numbers = #tpu.dot_dimension_numbers<[1], [0], [0], [1], [0, 0, 1, 1], [], []>, transpose_lhs_hint = false} : vector<256x384xf32>, vector<384x128xf32>, vector<256x128xf32> -> vector<256x128xf32>
    %add3A_207 = arith.addf %add3A_192, %dot_general3A_206 : vector<256x128xf32>
    %shift_right_arithmetic3A_208 = arith.constant 14 : i32
    %shift_right_arithmetic3A_209 = vector.broadcast %shift_right_arithmetic3A_208 : i32 to vector<256x384xi32>
    %shift_right_arithmetic3A_210 = arith.shrsi %get3A_1, %shift_right_arithmetic3A_209 : vector<256x384xi32>
    %and3A_211 = arith.constant 1 : i32
    %and3A_212 = vector.broadcast %and3A_211 : i32 to vector<256x384xi32>
    %and3A_213 = arith.andi %shift_right_arithmetic3A_210, %and3A_212 : vector<256x384xi32>
    %convert_element_type3A_214 = arith.sitofp %and3A_213 : vector<256x384xi32> to vector<256x384xf32>
    %get3A_215 = arith.constant 14 : index
    %get3A_216 = arith.constant 0 : index
    %get3A_217 = arith.constant 0 : index
    %get3A_218 = vector.load %arg3[%get3A_215, %get3A_216, %get3A_217] : memref<32x384x128xf32, #tpu.memory_space<vmem>>, vector<1x384x128xf32>
    %get3A_219 = vector.shape_cast %get3A_218 : vector<1x384x128xf32> to vector<384x128xf32>
    %dot_general3A_220 = arith.constant dense<0.000000e+00> : vector<256x128xf32>
    %dot_general3A_221 = tpu.matmul %convert_element_type3A_214, %get3A_219, %dot_general3A_220 {dimension_numbers = #tpu.dot_dimension_numbers<[1], [0], [0], [1], [0, 0, 1, 1], [], []>, transpose_lhs_hint = false} : vector<256x384xf32>, vector<384x128xf32>, vector<256x128xf32> -> vector<256x128xf32>
    %add3A_222 = arith.addf %add3A_207, %dot_general3A_221 : vector<256x128xf32>
    %shift_right_arithmetic3A_223 = arith.constant 15 : i32
    %shift_right_arithmetic3A_224 = vector.broadcast %shift_right_arithmetic3A_223 : i32 to vector<256x384xi32>
    %shift_right_arithmetic3A_225 = arith.shrsi %get3A_1, %shift_right_arithmetic3A_224 : vector<256x384xi32>
    %and3A_226 = arith.constant 1 : i32
    %and3A_227 = vector.broadcast %and3A_226 : i32 to vector<256x384xi32>
    %and3A_228 = arith.andi %shift_right_arithmetic3A_225, %and3A_227 : vector<256x384xi32>
    %convert_element_type3A_229 = arith.sitofp %and3A_228 : vector<256x384xi32> to vector<256x384xf32>
    %get3A_230 = arith.constant 15 : index
    %get3A_231 = arith.constant 0 : index
    %get3A_232 = arith.constant 0 : index
    %get3A_233 = vector.load %arg3[%get3A_230, %get3A_231, %get3A_232] : memref<32x384x128xf32, #tpu.memory_space<vmem>>, vector<1x384x128xf32>
    %get3A_234 = vector.shape_cast %get3A_233 : vector<1x384x128xf32> to vector<384x128xf32>
    %dot_general3A_235 = arith.constant dense<0.000000e+00> : vector<256x128xf32>
    %dot_general3A_236 = tpu.matmul %convert_element_type3A_229, %get3A_234, %dot_general3A_235 {dimension_numbers = #tpu.dot_dimension_numbers<[1], [0], [0], [1], [0, 0, 1, 1], [], []>, transpose_lhs_hint = false} : vector<256x384xf32>, vector<384x128xf32>, vector<256x128xf32> -> vector<256x128xf32>
    %add3A_237 = arith.addf %add3A_222, %dot_general3A_236 : vector<256x128xf32>
    %shift_right_arithmetic3A_238 = arith.constant 16 : i32
    %shift_right_arithmetic3A_239 = vector.broadcast %shift_right_arithmetic3A_238 : i32 to vector<256x384xi32>
    %shift_right_arithmetic3A_240 = arith.shrsi %get3A_1, %shift_right_arithmetic3A_239 : vector<256x384xi32>
    %and3A_241 = arith.constant 1 : i32
    %and3A_242 = vector.broadcast %and3A_241 : i32 to vector<256x384xi32>
    %and3A_243 = arith.andi %shift_right_arithmetic3A_240, %and3A_242 : vector<256x384xi32>
    %convert_element_type3A_244 = arith.sitofp %and3A_243 : vector<256x384xi32> to vector<256x384xf32>
    %get3A_245 = arith.constant 16 : index
    %get3A_246 = arith.constant 0 : index
    %get3A_247 = arith.constant 0 : index
    %get3A_248 = vector.load %arg3[%get3A_245, %get3A_246, %get3A_247] : memref<32x384x128xf32, #tpu.memory_space<vmem>>, vector<1x384x128xf32>
    %get3A_249 = vector.shape_cast %get3A_248 : vector<1x384x128xf32> to vector<384x128xf32>
    %dot_general3A_250 = arith.constant dense<0.000000e+00> : vector<256x128xf32>
    %dot_general3A_251 = tpu.matmul %convert_element_type3A_244, %get3A_249, %dot_general3A_250 {dimension_numbers = #tpu.dot_dimension_numbers<[1], [0], [0], [1], [0, 0, 1, 1], [], []>, transpose_lhs_hint = false} : vector<256x384xf32>, vector<384x128xf32>, vector<256x128xf32> -> vector<256x128xf32>
    %add3A_252 = arith.addf %add3A_237, %dot_general3A_251 : vector<256x128xf32>
    %shift_right_arithmetic3A_253 = arith.constant 17 : i32
    %shift_right_arithmetic3A_254 = vector.broadcast %shift_right_arithmetic3A_253 : i32 to vector<256x384xi32>
    %shift_right_arithmetic3A_255 = arith.shrsi %get3A_1, %shift_right_arithmetic3A_254 : vector<256x384xi32>
    %and3A_256 = arith.constant 1 : i32
    %and3A_257 = vector.broadcast %and3A_256 : i32 to vector<256x384xi32>
    %and3A_258 = arith.andi %shift_right_arithmetic3A_255, %and3A_257 : vector<256x384xi32>
    %convert_element_type3A_259 = arith.sitofp %and3A_258 : vector<256x384xi32> to vector<256x384xf32>
    %get3A_260 = arith.constant 17 : index
    %get3A_261 = arith.constant 0 : index
    %get3A_262 = arith.constant 0 : index
    %get3A_263 = vector.load %arg3[%get3A_260, %get3A_261, %get3A_262] : memref<32x384x128xf32, #tpu.memory_space<vmem>>, vector<1x384x128xf32>
    %get3A_264 = vector.shape_cast %get3A_263 : vector<1x384x128xf32> to vector<384x128xf32>
    %dot_general3A_265 = arith.constant dense<0.000000e+00> : vector<256x128xf32>
    %dot_general3A_266 = tpu.matmul %convert_element_type3A_259, %get3A_264, %dot_general3A_265 {dimension_numbers = #tpu.dot_dimension_numbers<[1], [0], [0], [1], [0, 0, 1, 1], [], []>, transpose_lhs_hint = false} : vector<256x384xf32>, vector<384x128xf32>, vector<256x128xf32> -> vector<256x128xf32>
    %add3A_267 = arith.addf %add3A_252, %dot_general3A_266 : vector<256x128xf32>
    %shift_right_arithmetic3A_268 = arith.constant 18 : i32
    %shift_right_arithmetic3A_269 = vector.broadcast %shift_right_arithmetic3A_268 : i32 to vector<256x384xi32>
    %shift_right_arithmetic3A_270 = arith.shrsi %get3A_1, %shift_right_arithmetic3A_269 : vector<256x384xi32>
    %and3A_271 = arith.constant 1 : i32
    %and3A_272 = vector.broadcast %and3A_271 : i32 to vector<256x384xi32>
    %and3A_273 = arith.andi %shift_right_arithmetic3A_270, %and3A_272 : vector<256x384xi32>
    %convert_element_type3A_274 = arith.sitofp %and3A_273 : vector<256x384xi32> to vector<256x384xf32>
    %get3A_275 = arith.constant 18 : index
    %get3A_276 = arith.constant 0 : index
    %get3A_277 = arith.constant 0 : index
    %get3A_278 = vector.load %arg3[%get3A_275, %get3A_276, %get3A_277] : memref<32x384x128xf32, #tpu.memory_space<vmem>>, vector<1x384x128xf32>
    %get3A_279 = vector.shape_cast %get3A_278 : vector<1x384x128xf32> to vector<384x128xf32>
    %dot_general3A_280 = arith.constant dense<0.000000e+00> : vector<256x128xf32>
    %dot_general3A_281 = tpu.matmul %convert_element_type3A_274, %get3A_279, %dot_general3A_280 {dimension_numbers = #tpu.dot_dimension_numbers<[1], [0], [0], [1], [0, 0, 1, 1], [], []>, transpose_lhs_hint = false} : vector<256x384xf32>, vector<384x128xf32>, vector<256x128xf32> -> vector<256x128xf32>
    %add3A_282 = arith.addf %add3A_267, %dot_general3A_281 : vector<256x128xf32>
    %shift_right_arithmetic3A_283 = arith.constant 19 : i32
    %shift_right_arithmetic3A_284 = vector.broadcast %shift_right_arithmetic3A_283 : i32 to vector<256x384xi32>
    %shift_right_arithmetic3A_285 = arith.shrsi %get3A_1, %shift_right_arithmetic3A_284 : vector<256x384xi32>
    %and3A_286 = arith.constant 1 : i32
    %and3A_287 = vector.broadcast %and3A_286 : i32 to vector<256x384xi32>
    %and3A_288 = arith.andi %shift_right_arithmetic3A_285, %and3A_287 : vector<256x384xi32>
    %convert_element_type3A_289 = arith.sitofp %and3A_288 : vector<256x384xi32> to vector<256x384xf32>
    %get3A_290 = arith.constant 19 : index
    %get3A_291 = arith.constant 0 : index
    %get3A_292 = arith.constant 0 : index
    %get3A_293 = vector.load %arg3[%get3A_290, %get3A_291, %get3A_292] : memref<32x384x128xf32, #tpu.memory_space<vmem>>, vector<1x384x128xf32>
    %get3A_294 = vector.shape_cast %get3A_293 : vector<1x384x128xf32> to vector<384x128xf32>
    %dot_general3A_295 = arith.constant dense<0.000000e+00> : vector<256x128xf32>
    %dot_general3A_296 = tpu.matmul %convert_element_type3A_289, %get3A_294, %dot_general3A_295 {dimension_numbers = #tpu.dot_dimension_numbers<[1], [0], [0], [1], [0, 0, 1, 1], [], []>, transpose_lhs_hint = false} : vector<256x384xf32>, vector<384x128xf32>, vector<256x128xf32> -> vector<256x128xf32>
    %add3A_297 = arith.addf %add3A_282, %dot_general3A_296 : vector<256x128xf32>
    %shift_right_arithmetic3A_298 = arith.constant 20 : i32
    %shift_right_arithmetic3A_299 = vector.broadcast %shift_right_arithmetic3A_298 : i32 to vector<256x384xi32>
    %shift_right_arithmetic3A_300 = arith.shrsi %get3A_1, %shift_right_arithmetic3A_299 : vector<256x384xi32>
    %and3A_301 = arith.constant 1 : i32
    %and3A_302 = vector.broadcast %and3A_301 : i32 to vector<256x384xi32>
    %and3A_303 = arith.andi %shift_right_arithmetic3A_300, %and3A_302 : vector<256x384xi32>
    %convert_element_type3A_304 = arith.sitofp %and3A_303 : vector<256x384xi32> to vector<256x384xf32>
    %get3A_305 = arith.constant 20 : index
    %get3A_306 = arith.constant 0 : index
    %get3A_307 = arith.constant 0 : index
    %get3A_308 = vector.load %arg3[%get3A_305, %get3A_306, %get3A_307] : memref<32x384x128xf32, #tpu.memory_space<vmem>>, vector<1x384x128xf32>
    %get3A_309 = vector.shape_cast %get3A_308 : vector<1x384x128xf32> to vector<384x128xf32>
    %dot_general3A_310 = arith.constant dense<0.000000e+00> : vector<256x128xf32>
    %dot_general3A_311 = tpu.matmul %convert_element_type3A_304, %get3A_309, %dot_general3A_310 {dimension_numbers = #tpu.dot_dimension_numbers<[1], [0], [0], [1], [0, 0, 1, 1], [], []>, transpose_lhs_hint = false} : vector<256x384xf32>, vector<384x128xf32>, vector<256x128xf32> -> vector<256x128xf32>
    %add3A_312 = arith.addf %add3A_297, %dot_general3A_311 : vector<256x128xf32>
    %shift_right_arithmetic3A_313 = arith.constant 21 : i32
    %shift_right_arithmetic3A_314 = vector.broadcast %shift_right_arithmetic3A_313 : i32 to vector<256x384xi32>
    %shift_right_arithmetic3A_315 = arith.shrsi %get3A_1, %shift_right_arithmetic3A_314 : vector<256x384xi32>
    %and3A_316 = arith.constant 1 : i32
    %and3A_317 = vector.broadcast %and3A_316 : i32 to vector<256x384xi32>
    %and3A_318 = arith.andi %shift_right_arithmetic3A_315, %and3A_317 : vector<256x384xi32>
    %convert_element_type3A_319 = arith.sitofp %and3A_318 : vector<256x384xi32> to vector<256x384xf32>
    %get3A_320 = arith.constant 21 : index
    %get3A_321 = arith.constant 0 : index
    %get3A_322 = arith.constant 0 : index
    %get3A_323 = vector.load %arg3[%get3A_320, %get3A_321, %get3A_322] : memref<32x384x128xf32, #tpu.memory_space<vmem>>, vector<1x384x128xf32>
    %get3A_324 = vector.shape_cast %get3A_323 : vector<1x384x128xf32> to vector<384x128xf32>
    %dot_general3A_325 = arith.constant dense<0.000000e+00> : vector<256x128xf32>
    %dot_general3A_326 = tpu.matmul %convert_element_type3A_319, %get3A_324, %dot_general3A_325 {dimension_numbers = #tpu.dot_dimension_numbers<[1], [0], [0], [1], [0, 0, 1, 1], [], []>, transpose_lhs_hint = false} : vector<256x384xf32>, vector<384x128xf32>, vector<256x128xf32> -> vector<256x128xf32>
    %add3A_327 = arith.addf %add3A_312, %dot_general3A_326 : vector<256x128xf32>
    %shift_right_arithmetic3A_328 = arith.constant 22 : i32
    %shift_right_arithmetic3A_329 = vector.broadcast %shift_right_arithmetic3A_328 : i32 to vector<256x384xi32>
    %shift_right_arithmetic3A_330 = arith.shrsi %get3A_1, %shift_right_arithmetic3A_329 : vector<256x384xi32>
    %and3A_331 = arith.constant 1 : i32
    %and3A_332 = vector.broadcast %and3A_331 : i32 to vector<256x384xi32>
    %and3A_333 = arith.andi %shift_right_arithmetic3A_330, %and3A_332 : vector<256x384xi32>
    %convert_element_type3A_334 = arith.sitofp %and3A_333 : vector<256x384xi32> to vector<256x384xf32>
    %get3A_335 = arith.constant 22 : index
    %get3A_336 = arith.constant 0 : index
    %get3A_337 = arith.constant 0 : index
    %get3A_338 = vector.load %arg3[%get3A_335, %get3A_336, %get3A_337] : memref<32x384x128xf32, #tpu.memory_space<vmem>>, vector<1x384x128xf32>
    %get3A_339 = vector.shape_cast %get3A_338 : vector<1x384x128xf32> to vector<384x128xf32>
    %dot_general3A_340 = arith.constant dense<0.000000e+00> : vector<256x128xf32>
    %dot_general3A_341 = tpu.matmul %convert_element_type3A_334, %get3A_339, %dot_general3A_340 {dimension_numbers = #tpu.dot_dimension_numbers<[1], [0], [0], [1], [0, 0, 1, 1], [], []>, transpose_lhs_hint = false} : vector<256x384xf32>, vector<384x128xf32>, vector<256x128xf32> -> vector<256x128xf32>
    %add3A_342 = arith.addf %add3A_327, %dot_general3A_341 : vector<256x128xf32>
    %shift_right_arithmetic3A_343 = arith.constant 23 : i32
    %shift_right_arithmetic3A_344 = vector.broadcast %shift_right_arithmetic3A_343 : i32 to vector<256x384xi32>
    %shift_right_arithmetic3A_345 = arith.shrsi %get3A_1, %shift_right_arithmetic3A_344 : vector<256x384xi32>
    %and3A_346 = arith.constant 1 : i32
    %and3A_347 = vector.broadcast %and3A_346 : i32 to vector<256x384xi32>
    %and3A_348 = arith.andi %shift_right_arithmetic3A_345, %and3A_347 : vector<256x384xi32>
    %convert_element_type3A_349 = arith.sitofp %and3A_348 : vector<256x384xi32> to vector<256x384xf32>
    %get3A_350 = arith.constant 23 : index
    %get3A_351 = arith.constant 0 : index
    %get3A_352 = arith.constant 0 : index
    %get3A_353 = vector.load %arg3[%get3A_350, %get3A_351, %get3A_352] : memref<32x384x128xf32, #tpu.memory_space<vmem>>, vector<1x384x128xf32>
    %get3A_354 = vector.shape_cast %get3A_353 : vector<1x384x128xf32> to vector<384x128xf32>
    %dot_general3A_355 = arith.constant dense<0.000000e+00> : vector<256x128xf32>
    %dot_general3A_356 = tpu.matmul %convert_element_type3A_349, %get3A_354, %dot_general3A_355 {dimension_numbers = #tpu.dot_dimension_numbers<[1], [0], [0], [1], [0, 0, 1, 1], [], []>, transpose_lhs_hint = false} : vector<256x384xf32>, vector<384x128xf32>, vector<256x128xf32> -> vector<256x128xf32>
    %add3A_357 = arith.addf %add3A_342, %dot_general3A_356 : vector<256x128xf32>
    %shift_right_arithmetic3A_358 = arith.constant 24 : i32
    %shift_right_arithmetic3A_359 = vector.broadcast %shift_right_arithmetic3A_358 : i32 to vector<256x384xi32>
    %shift_right_arithmetic3A_360 = arith.shrsi %get3A_1, %shift_right_arithmetic3A_359 : vector<256x384xi32>
    %and3A_361 = arith.constant 1 : i32
    %and3A_362 = vector.broadcast %and3A_361 : i32 to vector<256x384xi32>
    %and3A_363 = arith.andi %shift_right_arithmetic3A_360, %and3A_362 : vector<256x384xi32>
    %convert_element_type3A_364 = arith.sitofp %and3A_363 : vector<256x384xi32> to vector<256x384xf32>
    %get3A_365 = arith.constant 24 : index
    %get3A_366 = arith.constant 0 : index
    %get3A_367 = arith.constant 0 : index
    %get3A_368 = vector.load %arg3[%get3A_365, %get3A_366, %get3A_367] : memref<32x384x128xf32, #tpu.memory_space<vmem>>, vector<1x384x128xf32>
    %get3A_369 = vector.shape_cast %get3A_368 : vector<1x384x128xf32> to vector<384x128xf32>
    %dot_general3A_370 = arith.constant dense<0.000000e+00> : vector<256x128xf32>
    %dot_general3A_371 = tpu.matmul %convert_element_type3A_364, %get3A_369, %dot_general3A_370 {dimension_numbers = #tpu.dot_dimension_numbers<[1], [0], [0], [1], [0, 0, 1, 1], [], []>, transpose_lhs_hint = false} : vector<256x384xf32>, vector<384x128xf32>, vector<256x128xf32> -> vector<256x128xf32>
    %add3A_372 = arith.addf %add3A_357, %dot_general3A_371 : vector<256x128xf32>
    %shift_right_arithmetic3A_373 = arith.constant 25 : i32
    %shift_right_arithmetic3A_374 = vector.broadcast %shift_right_arithmetic3A_373 : i32 to vector<256x384xi32>
    %shift_right_arithmetic3A_375 = arith.shrsi %get3A_1, %shift_right_arithmetic3A_374 : vector<256x384xi32>
    %and3A_376 = arith.constant 1 : i32
    %and3A_377 = vector.broadcast %and3A_376 : i32 to vector<256x384xi32>
    %and3A_378 = arith.andi %shift_right_arithmetic3A_375, %and3A_377 : vector<256x384xi32>
    %convert_element_type3A_379 = arith.sitofp %and3A_378 : vector<256x384xi32> to vector<256x384xf32>
    %get3A_380 = arith.constant 25 : index
    %get3A_381 = arith.constant 0 : index
    %get3A_382 = arith.constant 0 : index
    %get3A_383 = vector.load %arg3[%get3A_380, %get3A_381, %get3A_382] : memref<32x384x128xf32, #tpu.memory_space<vmem>>, vector<1x384x128xf32>
    %get3A_384 = vector.shape_cast %get3A_383 : vector<1x384x128xf32> to vector<384x128xf32>
    %dot_general3A_385 = arith.constant dense<0.000000e+00> : vector<256x128xf32>
    %dot_general3A_386 = tpu.matmul %convert_element_type3A_379, %get3A_384, %dot_general3A_385 {dimension_numbers = #tpu.dot_dimension_numbers<[1], [0], [0], [1], [0, 0, 1, 1], [], []>, transpose_lhs_hint = false} : vector<256x384xf32>, vector<384x128xf32>, vector<256x128xf32> -> vector<256x128xf32>
    %add3A_387 = arith.addf %add3A_372, %dot_general3A_386 : vector<256x128xf32>
    %shift_right_arithmetic3A_388 = arith.constant 26 : i32
    %shift_right_arithmetic3A_389 = vector.broadcast %shift_right_arithmetic3A_388 : i32 to vector<256x384xi32>
    %shift_right_arithmetic3A_390 = arith.shrsi %get3A_1, %shift_right_arithmetic3A_389 : vector<256x384xi32>
    %and3A_391 = arith.constant 1 : i32
    %and3A_392 = vector.broadcast %and3A_391 : i32 to vector<256x384xi32>
    %and3A_393 = arith.andi %shift_right_arithmetic3A_390, %and3A_392 : vector<256x384xi32>
    %convert_element_type3A_394 = arith.sitofp %and3A_393 : vector<256x384xi32> to vector<256x384xf32>
    %get3A_395 = arith.constant 26 : index
    %get3A_396 = arith.constant 0 : index
    %get3A_397 = arith.constant 0 : index
    %get3A_398 = vector.load %arg3[%get3A_395, %get3A_396, %get3A_397] : memref<32x384x128xf32, #tpu.memory_space<vmem>>, vector<1x384x128xf32>
    %get3A_399 = vector.shape_cast %get3A_398 : vector<1x384x128xf32> to vector<384x128xf32>
    %dot_general3A_400 = arith.constant dense<0.000000e+00> : vector<256x128xf32>
    %dot_general3A_401 = tpu.matmul %convert_element_type3A_394, %get3A_399, %dot_general3A_400 {dimension_numbers = #tpu.dot_dimension_numbers<[1], [0], [0], [1], [0, 0, 1, 1], [], []>, transpose_lhs_hint = false} : vector<256x384xf32>, vector<384x128xf32>, vector<256x128xf32> -> vector<256x128xf32>
    %add3A_402 = arith.addf %add3A_387, %dot_general3A_401 : vector<256x128xf32>
    %shift_right_arithmetic3A_403 = arith.constant 27 : i32
    %shift_right_arithmetic3A_404 = vector.broadcast %shift_right_arithmetic3A_403 : i32 to vector<256x384xi32>
    %shift_right_arithmetic3A_405 = arith.shrsi %get3A_1, %shift_right_arithmetic3A_404 : vector<256x384xi32>
    %and3A_406 = arith.constant 1 : i32
    %and3A_407 = vector.broadcast %and3A_406 : i32 to vector<256x384xi32>
    %and3A_408 = arith.andi %shift_right_arithmetic3A_405, %and3A_407 : vector<256x384xi32>
    %convert_element_type3A_409 = arith.sitofp %and3A_408 : vector<256x384xi32> to vector<256x384xf32>
    %get3A_410 = arith.constant 27 : index
    %get3A_411 = arith.constant 0 : index
    %get3A_412 = arith.constant 0 : index
    %get3A_413 = vector.load %arg3[%get3A_410, %get3A_411, %get3A_412] : memref<32x384x128xf32, #tpu.memory_space<vmem>>, vector<1x384x128xf32>
    %get3A_414 = vector.shape_cast %get3A_413 : vector<1x384x128xf32> to vector<384x128xf32>
    %dot_general3A_415 = arith.constant dense<0.000000e+00> : vector<256x128xf32>
    %dot_general3A_416 = tpu.matmul %convert_element_type3A_409, %get3A_414, %dot_general3A_415 {dimension_numbers = #tpu.dot_dimension_numbers<[1], [0], [0], [1], [0, 0, 1, 1], [], []>, transpose_lhs_hint = false} : vector<256x384xf32>, vector<384x128xf32>, vector<256x128xf32> -> vector<256x128xf32>
    %add3A_417 = arith.addf %add3A_402, %dot_general3A_416 : vector<256x128xf32>
    %shift_right_arithmetic3A_418 = arith.constant 28 : i32
    %shift_right_arithmetic3A_419 = vector.broadcast %shift_right_arithmetic3A_418 : i32 to vector<256x384xi32>
    %shift_right_arithmetic3A_420 = arith.shrsi %get3A_1, %shift_right_arithmetic3A_419 : vector<256x384xi32>
    %and3A_421 = arith.constant 1 : i32
    %and3A_422 = vector.broadcast %and3A_421 : i32 to vector<256x384xi32>
    %and3A_423 = arith.andi %shift_right_arithmetic3A_420, %and3A_422 : vector<256x384xi32>
    %convert_element_type3A_424 = arith.sitofp %and3A_423 : vector<256x384xi32> to vector<256x384xf32>
    %get3A_425 = arith.constant 28 : index
    %get3A_426 = arith.constant 0 : index
    %get3A_427 = arith.constant 0 : index
    %get3A_428 = vector.load %arg3[%get3A_425, %get3A_426, %get3A_427] : memref<32x384x128xf32, #tpu.memory_space<vmem>>, vector<1x384x128xf32>
    %get3A_429 = vector.shape_cast %get3A_428 : vector<1x384x128xf32> to vector<384x128xf32>
    %dot_general3A_430 = arith.constant dense<0.000000e+00> : vector<256x128xf32>
    %dot_general3A_431 = tpu.matmul %convert_element_type3A_424, %get3A_429, %dot_general3A_430 {dimension_numbers = #tpu.dot_dimension_numbers<[1], [0], [0], [1], [0, 0, 1, 1], [], []>, transpose_lhs_hint = false} : vector<256x384xf32>, vector<384x128xf32>, vector<256x128xf32> -> vector<256x128xf32>
    %add3A_432 = arith.addf %add3A_417, %dot_general3A_431 : vector<256x128xf32>
    %shift_right_arithmetic3A_433 = arith.constant 29 : i32
    %shift_right_arithmetic3A_434 = vector.broadcast %shift_right_arithmetic3A_433 : i32 to vector<256x384xi32>
    %shift_right_arithmetic3A_435 = arith.shrsi %get3A_1, %shift_right_arithmetic3A_434 : vector<256x384xi32>
    %and3A_436 = arith.constant 1 : i32
    %and3A_437 = vector.broadcast %and3A_436 : i32 to vector<256x384xi32>
    %and3A_438 = arith.andi %shift_right_arithmetic3A_435, %and3A_437 : vector<256x384xi32>
    %convert_element_type3A_439 = arith.sitofp %and3A_438 : vector<256x384xi32> to vector<256x384xf32>
    %get3A_440 = arith.constant 29 : index
    %get3A_441 = arith.constant 0 : index
    %get3A_442 = arith.constant 0 : index
    %get3A_443 = vector.load %arg3[%get3A_440, %get3A_441, %get3A_442] : memref<32x384x128xf32, #tpu.memory_space<vmem>>, vector<1x384x128xf32>
    %get3A_444 = vector.shape_cast %get3A_443 : vector<1x384x128xf32> to vector<384x128xf32>
    %dot_general3A_445 = arith.constant dense<0.000000e+00> : vector<256x128xf32>
    %dot_general3A_446 = tpu.matmul %convert_element_type3A_439, %get3A_444, %dot_general3A_445 {dimension_numbers = #tpu.dot_dimension_numbers<[1], [0], [0], [1], [0, 0, 1, 1], [], []>, transpose_lhs_hint = false} : vector<256x384xf32>, vector<384x128xf32>, vector<256x128xf32> -> vector<256x128xf32>
    %add3A_447 = arith.addf %add3A_432, %dot_general3A_446 : vector<256x128xf32>
    %shift_right_arithmetic3A_448 = arith.constant 30 : i32
    %shift_right_arithmetic3A_449 = vector.broadcast %shift_right_arithmetic3A_448 : i32 to vector<256x384xi32>
    %shift_right_arithmetic3A_450 = arith.shrsi %get3A_1, %shift_right_arithmetic3A_449 : vector<256x384xi32>
    %and3A_451 = arith.constant 1 : i32
    %and3A_452 = vector.broadcast %and3A_451 : i32 to vector<256x384xi32>
    %and3A_453 = arith.andi %shift_right_arithmetic3A_450, %and3A_452 : vector<256x384xi32>
    %convert_element_type3A_454 = arith.sitofp %and3A_453 : vector<256x384xi32> to vector<256x384xf32>
    %get3A_455 = arith.constant 30 : index
    %get3A_456 = arith.constant 0 : index
    %get3A_457 = arith.constant 0 : index
    %get3A_458 = vector.load %arg3[%get3A_455, %get3A_456, %get3A_457] : memref<32x384x128xf32, #tpu.memory_space<vmem>>, vector<1x384x128xf32>
    %get3A_459 = vector.shape_cast %get3A_458 : vector<1x384x128xf32> to vector<384x128xf32>
    %dot_general3A_460 = arith.constant dense<0.000000e+00> : vector<256x128xf32>
    %dot_general3A_461 = tpu.matmul %convert_element_type3A_454, %get3A_459, %dot_general3A_460 {dimension_numbers = #tpu.dot_dimension_numbers<[1], [0], [0], [1], [0, 0, 1, 1], [], []>, transpose_lhs_hint = false} : vector<256x384xf32>, vector<384x128xf32>, vector<256x128xf32> -> vector<256x128xf32>
    %add3A_462 = arith.addf %add3A_447, %dot_general3A_461 : vector<256x128xf32>
    %shift_right_arithmetic3A_463 = arith.constant 31 : i32
    %shift_right_arithmetic3A_464 = vector.broadcast %shift_right_arithmetic3A_463 : i32 to vector<256x384xi32>
    %shift_right_arithmetic3A_465 = arith.shrsi %get3A_1, %shift_right_arithmetic3A_464 : vector<256x384xi32>
    %and3A_466 = arith.constant 1 : i32
    %and3A_467 = vector.broadcast %and3A_466 : i32 to vector<256x384xi32>
    %and3A_468 = arith.andi %shift_right_arithmetic3A_465, %and3A_467 : vector<256x384xi32>
    %convert_element_type3A_469 = arith.sitofp %and3A_468 : vector<256x384xi32> to vector<256x384xf32>
    %get3A_470 = arith.constant 31 : index
    %get3A_471 = arith.constant 0 : index
    %get3A_472 = arith.constant 0 : index
    %get3A_473 = vector.load %arg3[%get3A_470, %get3A_471, %get3A_472] : memref<32x384x128xf32, #tpu.memory_space<vmem>>, vector<1x384x128xf32>
    %get3A_474 = vector.shape_cast %get3A_473 : vector<1x384x128xf32> to vector<384x128xf32>
    %dot_general3A_475 = arith.constant dense<0.000000e+00> : vector<256x128xf32>
    %dot_general3A_476 = tpu.matmul %convert_element_type3A_469, %get3A_474, %dot_general3A_475 {dimension_numbers = #tpu.dot_dimension_numbers<[1], [0], [0], [1], [0, 0, 1, 1], [], []>, transpose_lhs_hint = false} : vector<256x384xf32>, vector<384x128xf32>, vector<256x128xf32> -> vector<256x128xf32>
    %add3A_477 = arith.addf %add3A_462, %dot_general3A_476 : vector<256x128xf32>
    %get3A_478 = arith.constant 0 : index
    %get3A_479 = arith.constant 0 : index
    %get3A_480 = vector.load %arg5[%get3A_478, %get3A_479] : memref<128x256xf32, #tpu.memory_space<vmem>>, vector<128x256xf32>
    %dot_general3A_481 = arith.constant dense<0.000000e+00> : vector<256x256xf32>
    %dot_general3A_482 = tpu.matmul %add3A_477, %get3A_480, %dot_general3A_481 {dimension_numbers = #tpu.dot_dimension_numbers<[1], [0], [0], [1], [0, 0, 1, 1], [], []>, transpose_lhs_hint = false} : vector<256x128xf32>, vector<128x256xf32>, vector<256x256xf32> -> vector<256x256xf32>
    %get3A_483 = arith.constant 0 : index
    %get3A_484 = arith.constant 0 : index
    %get3A_485 = vector.load %arg6[%get3A_483, %get3A_484] : memref<1x256xf32, #tpu.memory_space<vmem>>, vector<1x256xf32>
    %add3A_486 = vector.broadcast %get3A_485 : vector<1x256xf32> to vector<256x256xf32>
    %add3A_487 = arith.addf %dot_general3A_482, %add3A_486 : vector<256x256xf32>
    %max3A = arith.constant 0.000000e+00 : f32
    %max3A_488 = vector.broadcast %max3A : f32 to vector<256x256xf32>
    %max3A_489 = arith.maximumf %add3A_487, %max3A_488 : vector<256x256xf32>
    %get3A_490 = arith.constant 0 : index
    %get3A_491 = arith.constant 0 : index
    %get3A_492 = vector.load %arg7[%get3A_490, %get3A_491] : memref<256x256xf32, #tpu.memory_space<vmem>>, vector<256x256xf32>
    %dot_general3A_493 = arith.constant dense<0.000000e+00> : vector<256x256xf32>
    %dot_general3A_494 = tpu.matmul %max3A_489, %get3A_492, %dot_general3A_493 {dimension_numbers = #tpu.dot_dimension_numbers<[1], [0], [0], [1], [0, 0, 1, 1], [], []>, transpose_lhs_hint = false} : vector<256x256xf32>, vector<256x256xf32>, vector<256x256xf32> -> vector<256x256xf32>
    %get3A_495 = arith.constant 0 : index
    %get3A_496 = arith.constant 0 : index
    %get3A_497 = vector.load %arg8[%get3A_495, %get3A_496] : memref<1x256xf32, #tpu.memory_space<vmem>>, vector<1x256xf32>
    %add3A_498 = vector.broadcast %get3A_497 : vector<1x256xf32> to vector<256x256xf32>
    %add3A_499 = arith.addf %dot_general3A_494, %add3A_498 : vector<256x256xf32>
    %max3A_500 = arith.constant 0.000000e+00 : f32
    %max3A_501 = vector.broadcast %max3A_500 : f32 to vector<256x256xf32>
    %max3A_502 = arith.maximumf %add3A_499, %max3A_501 : vector<256x256xf32>
    %get3A_503 = arith.constant 0 : index
    %get3A_504 = arith.constant 0 : index
    %get3A_505 = vector.load %arg9[%get3A_503, %get3A_504] : memref<256x256xf32, #tpu.memory_space<vmem>>, vector<256x256xf32>
    %dot_general3A_506 = arith.constant dense<0.000000e+00> : vector<256x256xf32>
    %dot_general3A_507 = tpu.matmul %max3A_502, %get3A_505, %dot_general3A_506 {dimension_numbers = #tpu.dot_dimension_numbers<[1], [0], [0], [1], [0, 0, 1, 1], [], []>, transpose_lhs_hint = false} : vector<256x256xf32>, vector<256x256xf32>, vector<256x256xf32> -> vector<256x256xf32>
    %get3A_508 = arith.constant 0 : index
    %get3A_509 = arith.constant 0 : index
    %get3A_510 = vector.load %arg10[%get3A_508, %get3A_509] : memref<1x256xf32, #tpu.memory_space<vmem>>, vector<1x256xf32>
    %add3A_511 = vector.broadcast %get3A_510 : vector<1x256xf32> to vector<256x256xf32>
    %add3A_512 = arith.addf %dot_general3A_507, %add3A_511 : vector<256x256xf32>
    %get3A_513 = arith.constant 0 : index
    %get3A_514 = arith.constant 0 : index
    %get3A_515 = vector.load %arg2[%get3A_513, %get3A_514] : memref<256x128xf32, #tpu.memory_space<vmem>>, vector<256x128xf32>
    %get3A_516 = arith.constant 0 : index
    %get3A_517 = arith.constant 0 : index
    %get3A_518 = vector.load %arg11[%get3A_516, %get3A_517] : memref<128x256xf32, #tpu.memory_space<vmem>>, vector<128x256xf32>
    %dot_general3A_519 = arith.constant dense<0.000000e+00> : vector<256x256xf32>
    %dot_general3A_520 = tpu.matmul %get3A_515, %get3A_518, %dot_general3A_519 {dimension_numbers = #tpu.dot_dimension_numbers<[1], [0], [0], [1], [0, 0, 1, 1], [], []>, transpose_lhs_hint = false} : vector<256x128xf32>, vector<128x256xf32>, vector<256x256xf32> -> vector<256x256xf32>
    %get3A_521 = arith.constant 0 : index
    %get3A_522 = arith.constant 0 : index
    %get3A_523 = vector.load %arg12[%get3A_521, %get3A_522] : memref<1x256xf32, #tpu.memory_space<vmem>>, vector<1x256xf32>
    %add3A_524 = vector.broadcast %get3A_523 : vector<1x256xf32> to vector<256x256xf32>
    %add3A_525 = arith.addf %dot_general3A_520, %add3A_524 : vector<256x256xf32>
    %max3A_526 = arith.constant 0.000000e+00 : f32
    %max3A_527 = vector.broadcast %max3A_526 : f32 to vector<256x256xf32>
    %max3A_528 = arith.maximumf %add3A_525, %max3A_527 : vector<256x256xf32>
    %get3A_529 = arith.constant 0 : index
    %get3A_530 = arith.constant 0 : index
    %get3A_531 = vector.load %arg13[%get3A_529, %get3A_530] : memref<256x256xf32, #tpu.memory_space<vmem>>, vector<256x256xf32>
    %dot_general3A_532 = arith.constant dense<0.000000e+00> : vector<256x256xf32>
    %dot_general3A_533 = tpu.matmul %max3A_528, %get3A_531, %dot_general3A_532 {dimension_numbers = #tpu.dot_dimension_numbers<[1], [0], [0], [1], [0, 0, 1, 1], [], []>, transpose_lhs_hint = false} : vector<256x256xf32>, vector<256x256xf32>, vector<256x256xf32> -> vector<256x256xf32>
    %get3A_534 = arith.constant 0 : index
    %get3A_535 = arith.constant 0 : index
    %get3A_536 = vector.load %arg14[%get3A_534, %get3A_535] : memref<1x256xf32, #tpu.memory_space<vmem>>, vector<1x256xf32>
    %add3A_537 = vector.broadcast %get3A_536 : vector<1x256xf32> to vector<256x256xf32>
    %add3A_538 = arith.addf %dot_general3A_533, %add3A_537 : vector<256x256xf32>
    %get3A_539 = arith.constant 0 : index
    %get3A_540 = arith.constant 0 : index
    %get3A_541 = vector.load %arg4[%get3A_539, %get3A_540] : memref<1x1xf32, #tpu.memory_space<vmem>>, vector<1x1xf32>
    %get3A_542 = vector.extract %get3A_541[0, 0] : f32 from vector<1x1xf32>
    %mul3A = vector.broadcast %get3A_542 : f32 to vector<256x256xf32>
    %mul3A_543 = arith.mulf %add3A_512, %mul3A : vector<256x256xf32>
    %add3A_544 = arith.addf %mul3A_543, %add3A_538 : vector<256x256xf32>
    %get3A_545 = arith.constant 0 : index
    %get3A_546 = arith.constant 0 : index
    %get3A_547 = vector.load %arg15[%get3A_545, %get3A_546] : memref<256x256xf32, #tpu.memory_space<vmem>>, vector<256x256xf32>
    %dot_general3A_548 = arith.constant dense<0.000000e+00> : vector<256x256xf32>
    %dot_general3A_549 = tpu.matmul %add3A_544, %get3A_547, %dot_general3A_548 {dimension_numbers = #tpu.dot_dimension_numbers<[1], [0], [0], [1], [0, 0, 1, 1], [], []>, transpose_lhs_hint = false} : vector<256x256xf32>, vector<256x256xf32>, vector<256x256xf32> -> vector<256x256xf32>
    %get3A_550 = arith.constant 0 : index
    %get3A_551 = arith.constant 0 : index
    %get3A_552 = vector.load %arg16[%get3A_550, %get3A_551] : memref<1x256xf32, #tpu.memory_space<vmem>>, vector<1x256xf32>
    %add3A_553 = vector.broadcast %get3A_552 : vector<1x256xf32> to vector<256x256xf32>
    %add3A_554 = arith.addf %dot_general3A_549, %add3A_553 : vector<256x256xf32>
    %max3A_555 = arith.constant 0.000000e+00 : f32
    %max3A_556 = vector.broadcast %max3A_555 : f32 to vector<256x256xf32>
    %max3A_557 = arith.maximumf %add3A_554, %max3A_556 : vector<256x256xf32>
    %get3A_558 = arith.constant 0 : index
    %get3A_559 = arith.constant 0 : index
    %get3A_560 = vector.load %arg17[%get3A_558, %get3A_559] : memref<256x1xf32, #tpu.memory_space<vmem>>, vector<256x1xf32>
    %dot_general3A_561 = arith.constant dense<0.000000e+00> : vector<256x1xf32>
    %dot_general3A_562 = tpu.matmul %max3A_557, %get3A_560, %dot_general3A_561 {dimension_numbers = #tpu.dot_dimension_numbers<[1], [0], [0], [1], [0, 0, 1, 1], [], []>, transpose_lhs_hint = false} : vector<256x256xf32>, vector<256x1xf32>, vector<256x1xf32> -> vector<256x1xf32>
    %get3A_563 = arith.constant 0 : index
    %get3A_564 = arith.constant 0 : index
    %get3A_565 = vector.load %arg18[%get3A_563, %get3A_564] : memref<1x1xf32, #tpu.memory_space<vmem>>, vector<1x1xf32>
    %add3A_566 = vector.broadcast %get3A_565 : vector<1x1xf32> to vector<256x1xf32>
    %add3A_567 = arith.addf %dot_general3A_562, %add3A_566 : vector<256x1xf32>
    %swap3A = arith.constant 0 : index
    %swap3A_568 = arith.constant 0 : index
    %swap3A_569 = vector.load %arg19[%swap3A, %swap3A_568] : memref<256x1xf32, #tpu.memory_space<vmem>>, vector<256x1xf32>
    tpu.vector_store %arg19[%swap3A, %swap3A_568], %add3A_567 {strides = array<i32>} : memref<256x1xf32, #tpu.memory_space<vmem>>, vector<256x1xf32>,
    return
  }
  func.func @transform_0(%arg0: i32) -> (i32, i32) {
    %c0_i32 = arith.constant 0 : i32
    %c0_i32_0 = arith.constant 0 : i32
    return %arg0, %c0_i32 : i32, i32
  }
  func.func @transform_1(%arg0: i32) -> (i32, i32) {
    %c0_i32 = arith.constant 0 : i32
    %c0_i32_0 = arith.constant 0 : i32
    return %arg0, %c0_i32 : i32, i32
  }
  func.func @transform_2(%arg0: i32) -> (i32, i32, i32) {
    %c0_i32 = arith.constant 0 : i32
    %c0_i32_0 = arith.constant 0 : i32
    %c0_i32_1 = arith.constant 0 : i32
    %c0_i32_2 = arith.constant 0 : i32
    return %c0_i32, %c0_i32_0, %c0_i32_1 : i32, i32, i32
  }
  func.func @transform_3(%arg0: i32) -> (i32, i32) {
    %c0_i32 = arith.constant 0 : i32
    %c0_i32_0 = arith.constant 0 : i32
    %c0_i32_1 = arith.constant 0 : i32
    return %c0_i32, %c0_i32_0 : i32, i32
  }
  func.func @transform_4(%arg0: i32) -> (i32, i32) {
    %c0_i32 = arith.constant 0 : i32
    %c0_i32_0 = arith.constant 0 : i32
    %c0_i32_1 = arith.constant 0 : i32
    return %c0_i32, %c0_i32_0 : i32, i32
  }
  func.func @transform_5(%arg0: i32) -> (i32, i32) {
    %c0_i32 = arith.constant 0 : i32
    %c0_i32_0 = arith.constant 0 : i32
    %c0_i32_1 = arith.constant 0 : i32
    return %c0_i32, %c0_i32_0 : i32, i32
  }
  func.func @transform_6(%arg0: i32) -> (i32, i32) {
    %c0_i32 = arith.constant 0 : i32
    %c0_i32_0 = arith.constant 0 : i32
    %c0_i32_1 = arith.constant 0 : i32
    return %c0_i32, %c0_i32_0 : i32, i32
  }
  func.func @transform_7(%arg0: i32) -> (i32, i32) {
    %c0_i32 = arith.constant 0 : i32
    %c0_i32_0 = arith.constant 0 : i32
    %c0_i32_1 = arith.constant 0 : i32
    return %c0_i32, %c0_i32_0 : i32, i32
  }
  func.func @transform_8(%arg0: i32) -> (i32, i32) {
    %c0_i32 = arith.constant 0 : i32
    %c0_i32_0 = arith.constant 0 : i32
    %c0_i32_1 = arith.constant 0 : i32
    return %c0_i32, %c0_i32_0 : i32, i32
  }
  func.func @transform_9(%arg0: i32) -> (i32, i32) {
    %c0_i32 = arith.constant 0 : i32
    %c0_i32_0 = arith.constant 0 : i32
    %c0_i32_1 = arith.constant 0 : i32
    return %c0_i32, %c0_i32_0 : i32, i32
  }
  func.func @transform_10(%arg0: i32) -> (i32, i32) {
    %c0_i32 = arith.constant 0 : i32
    %c0_i32_0 = arith.constant 0 : i32
    %c0_i32_1 = arith.constant 0 : i32
    return %c0_i32, %c0_i32_0 : i32, i32
  }
  func.func @transform_11(%arg0: i32) -> (i32, i32) {
    %c0_i32 = arith.constant 0 : i32
    %c0_i32_0 = arith.constant 0 : i32
    %c0_i32_1 = arith.constant 0 : i32
    return %c0_i32, %c0_i32_0 : i32, i32
  }
  func.func @transform_12(%arg0: i32) -> (i32, i32) {
    %c0_i32 = arith.constant 0 : i32
    %c0_i32_0 = arith.constant 0 : i32
    %c0_i32_1 = arith.constant 0 : i32
    return %c0_i32, %c0_i32_0 : i32, i32
  }
  func.func @transform_13(%arg0: i32) -> (i32, i32) {
    %c0_i32 = arith.constant 0 : i32
    %c0_i32_0 = arith.constant 0 : i32
    %c0_i32_1 = arith.constant 0 : i32
    return %c0_i32, %c0_i32_0 : i32, i32
  }
  func.func @transform_14(%arg0: i32) -> (i32, i32) {
    %c0_i32 = arith.constant 0 : i32
    %c0_i32_0 = arith.constant 0 : i32
    %c0_i32_1 = arith.constant 0 : i32
    return %c0_i32, %c0_i32_0 : i32, i32
  }
  func.func @transform_15(%arg0: i32) -> (i32, i32) {
    %c0_i32 = arith.constant 0 : i32
    %c0_i32_0 = arith.constant 0 : i32
    %c0_i32_1 = arith.constant 0 : i32
    return %c0_i32, %c0_i32_0 : i32, i32
  }
  func.func @transform_16(%arg0: i32) -> (i32, i32) {
    %c0_i32 = arith.constant 0 : i32
    %c0_i32_0 = arith.constant 0 : i32
    %c0_i32_1 = arith.constant 0 : i32
    return %c0_i32, %c0_i32_0 : i32, i32
  }
  func.func @transform_17(%arg0: i32) -> (i32, i32) {
    %c0_i32 = arith.constant 0 : i32
    %c0_i32_0 = arith.constant 0 : i32
    %c0_i32_1 = arith.constant 0 : i32
    return %c0_i32, %c0_i32_0 : i32, i32
  }
  func.func @transform_18(%arg0: i32) -> (i32, i32) {
    %c0_i32 = arith.constant 0 : i32
    %c0_i32_0 = arith.constant 0 : i32
    return %arg0, %c0_i32 : i32, i32
  }
}

</mosaic_0001>

<sc_bundles>
// kernel: kernel.4.cloned.1.call-start
scs
__scs_entry_jumppad:
0x0: {  	(pc) =	sbr.rel $0x88, $3  }
0x1: {  	(tag) =	ssettag $0x0;
	lr =	simm.s32 $0x1  }
0x2: {  	[smem:$0x3F8F] =	sst lr;
	_ =	strace $0xD0000000  }
0x3: {  	_ = 	snop  }
0x4: {  	_ = 	snop  }
0x5: {  	_ = 	snop  }
0x6: {  	_ = 	snop  }
0x7: {  	_ = 	snop  }
__scs_overlays_trampoline_lowered:
0x8: {  	[smem:$0x3F9E] =	sst s0  }
0x9: {  	[smem:$0x3F9F] =	sst s1  }
0xa: {  	[smem:$0x3FA0] =	sst s2  }
0xb: {  	[smem:$0x3FA1] =	sst s3  }
0xc: {  	[smem:$0x3FA2] =	sst s4  }
0xd: {  	[smem:$0x3FA3] =	sst s5  }
0xe: {  	[smem:$0x3FA4] =	sst s6  }
0xf: {  	[smem:$0x3FA5] =	sst s7  }
0x10: {  	[smem:$0x3FA6] =	sst s8  }
0x11: {  	[smem:$0x3FA7] =	sst s9;
	s0 =	simm.s32 @!p0 $0x0  }
0x12: {  	s1 =	sld [smem:$0x3F8D];
	s0 =	simm.s32 @p0 $0x1  }
0x13: {  	[smem:$0x3FA8] =	sst s0;
	s0 =	simm.s32 @!p1 $0x0  }
0x14: {  	s2 =	sld [smem:$0x3F8C];
	s0 =	simm.s32 @p1 $0x1  }
0x15: {  	[smem:$0x3FA9] =	sst s0;
	s0 =	simm.s32 @!p2 $0x0  }
0x16: {  	s3 =	sld [smem:$0x3FDB];
	s0 =	simm.s32 @p2 $0x1  }
0x17: {  	s4 =	simm.s32 $0x1BF5;
	[smem:$0x3FAB] =	sst s0  }
0x18: {  	s0 =	sld [smem:$0x3F8E];
	_ =	swait.ge [sflag:s4], $0x0  }
0x19: {  	s7 =	sld [smem:$0x3F8F]  }
0x1a: {  	s8 =	sadd.s32 $0xFFFFE003, lr  }
0x1b: {  	s9 =	sadd.s32 $0xFFFFFEF7, lr;
	s5 =	simm.s32 $0xFFFFFFFF;
	p2 =	slt.u32 s8, $0xFFFFF086  }
0x1c: {  	p1 =	slt.u32 s9, $0xF7A;
	s5 =	simm.s32 @!p2 $0x0  }
0x1d: {  	s5 =	simm.s32 @p1 $0x1;
	p0 =	seq.s32 s7, s2  }
0x1e: {  	s7 =	smul.u32 @!p0 $0xF7A, s2;
	p2 =	seq.s32 @!p0 s5, $0x0  }
0x1f: {  	s9 =	smul.u32 $0xF7A, s1;
	s8 =	simm.s32 @!p0 $0x1BF5;
	p2 =	por !p2, p0  }
0x20: {  	[sflag:s8] =	ssyncset.s32 @!p0 $0xFFFFF086;
	s6 =	sadd.s32 @!p0 s3, s7;
	s7 =	simm.s32 @!p0 $0x108  }
0x21: {  	s3 =	sadd.s32 s3, s9;
	s6 =	sadd.s32 @!p0 $0x88, s6;
	s7 =	simm.s32 @p2 $0x1082  }
0x22: {  	[simem:s7], [sflag:s8] =	dma.local @!p0 [hbm:s6], $0xF7A  }
0x23: {  	s9 =	sor.u32 $0xD0000000, s2;
	s6 =	simm.s32 $0x108;
	_ =	swait.ge @!p0 [sflag:s8], $0x0  }
0x24: {  	s3 =	sadd.s32 $0x88, s3;
	s6 =	simm.s32 @!p1 $0x1082;
	[sflag:s4] =	ssyncset.s32 $0xFFFFF086  }
0x25: {  	[simem:s6], [sflag:s4] =	dma.local [hbm:s3], $0xF7A  }
0x26: {  	[smem:$0x3F8F] =	sst s1;
	(tag) =	ssettag s2;
	_ =	strace s9  }
0x27: {  	s1 =	sld [smem:$0x3F9F]  }
0x28: {  	s2 =	sld [smem:$0x3FA0]  }
0x29: {  	s4 =	sld [smem:$0x3FA2]  }
0x2a: {  	p0 =	seq.s32 s5, $0x0;
	s5 =	sld [smem:$0x3FA3]  }
0x2b: {  	s6 =	sld [smem:$0x3FA4]  }
0x2c: {  	s7 =	sld [smem:$0x3FA5]  }
0x2d: {  	s3 =	simm.s32 $0x108;
	s8 =	sld [smem:$0x3FA6]  }
0x2e: {  	s3 =	simm.s32 @!p0 $0x1082;
	s9 =	sld [smem:$0x3FA7]  }
0x2f: {  	lr =	sadd.s32 s0, s3;
	s0 =	sld [smem:$0x3F9E]  }
0x30: {  	s3 =	sld [smem:$0x3FA1]  }
0x31: {  	[smem:$0x3FAA] =	sst s10  }
0x32: {  	s10 =	sld [smem:$0x3FA8];
	_ =	sdelay $0x3  }
0x33: {  	p0 =	seq.s32 s10, $0x1;
	s10 =	sld [smem:$0x3FAA];
	_ =	sdelay $0x3  }
0x34: {  	[smem:$0x3FAA] =	sst s10  }
0x35: {  	s10 =	sld [smem:$0x3FA9];
	_ =	sdelay $0x3  }
0x36: {  	p1 =	seq.s32 s10, $0x1;
	s10 =	sld [smem:$0x3FAA];
	_ =	sdelay $0x3  }
0x37: {  	[smem:$0x3FAA] =	sst s10  }
0x38: {  	s10 =	sld [smem:$0x3FAB]  }
0x39: {  	_ = 	snop;
	(pc) =	sbr.ind lr, $3  }
0x3a: {  	_ = 	snop  }
0x3b: {  	_ = 	snop  }
0x3c: {  	p2 =	seq.s32 s10, $0x1;
	s10 =	sld [smem:$0x3FAA]  }
0x3d: {  	_ =	shalt  }
0x3e: {  	_ =	shalt  }
0x3f: {  	_ =	shalt  }
0x40: {  	_ =	shalt  }
0x41: {  	_ =	shalt  }
0x42: {  	_ =	shalt  }
0x43: {  	_ =	shalt  }
0x44: {  	_ =	shalt  }
0x45: {  	_ =	shalt  }
0x46: {  	_ =	shalt  }
0x47: {  	_ =	shalt  }
0x48: {  	_ =	shalt  }
0x49: {  	_ =	shalt  }
0x4a: {  	_ =	shalt  }
0x4b: {  	_ =	shalt  }
0x4c: {  	_ =	shalt  }
0x4d: {  	_ =	shalt  }
0x4e: {  	_ =	shalt  }
0x4f: {  	_ =	shalt  }
0x50: {  	_ =	shalt  }
0x51: {  	_ =	shalt  }
0x52: {  	_ =	shalt  }
0x53: {  	_ =	shalt  }
0x54: {  	_ =	shalt  }
0x55: {  	_ =	shalt  }
0x56: {  	_ =	shalt  }
0x57: {  	_ =	shalt  }
0x58: {  	_ =	shalt  }
0x59: {  	_ =	shalt  }
0x5a: {  	_ =	shalt  }
0x5b: {  	_ =	shalt  }
0x5c: {  	_ =	shalt  }
0x5d: {  	_ =	shalt  }
0x5e: {  	_ =	shalt  }
0x5f: {  	_ =	shalt  }
0x60: {  	_ =	shalt  }
0x61: {  	_ =	shalt  }
0x62: {  	_ =	shalt  }
0x63: {  	_ =	shalt  }
0x64: {  	_ =	shalt  }
0x65: {  	_ =	shalt  }
0x66: {  	_ =	shalt  }
0x67: {  	_ =	shalt  }
0x68: {  	_ =	shalt  }
0x69: {  	_ =	shalt  }
0x6a: {  	_ =	shalt  }
0x6b: {  	_ =	shalt  }
0x6c: {  	_ =	shalt  }
0x6d: {  	_ =	shalt  }
0x6e: {  	_ =	shalt  }
0x6f: {  	_ =	shalt  }
0x70: {  	_ =	shalt  }
0x71: {  	_ =	shalt  }
0x72: {  	_ =	shalt  }
0x73: {  	_ =	shalt  }
0x74: {  	_ =	shalt  }
0x75: {  	_ =	shalt  }
0x76: {  	_ =	shalt  }
0x77: {  	_ =	shalt  }
0x78: {  	_ =	shalt  }
0x79: {  	_ =	shalt  }
0x7a: {  	_ =	shalt  }
0x7b: {  	_ =	shalt  }
0x7c: {  	_ =	shalt  }
0x7d: {  	_ =	shalt  }
0x7e: {  	_ =	shalt  }
0x7f: {  	_ =	shalt  }
0x80: {  	_ =	shalt  }
0x81: {  	_ =	shalt  }
0x82: {  	_ =	shalt  }
0x83: {  	_ =	shalt  }
0x84: {  	_ =	shalt  }
0x85: {  	_ =	shalt  }
0x86: {  	_ =	shalt  }
0x87: {  	_ =	shalt  }
.Lfunc_end0:
.L_simem_size_0:
called_computation.1_lowered:
.L_overlay_start_0:
0x88: {  	s2 =	sld [smem:$0x3FD9]  }
0x89: {  	s3 =	sld [smem:$0x3FFE];
	_ =	sdelay $0x1  }
0x8a: {  	s1 =	srdreg.scid  }
0x8b: {  	s0 =	sand.u32 $0x1, s1  }
0x8c: {  	s17 =	sshll.u32 s0, $0xA;
	s2 =	sadd.s32 s3, s2  }
0x8d: {  	s2 =	sadd.s32 s2, s17  }
0x8e: {  	[smem:$0x3FB6] =	sst s2  }
0x8f: {  	_ = 	snop  }
0x90: {  	s2 =	sld [smem:$0x3FC9]  }
0x91: {  	s18 =	sld [smem:$0x3FD0];
	(tm) =	ssettm $0x1  }
0x92: {  	s4 =	sld [smem:$0x3FFB];
	_ =	sdelay $0x3  }
0x93: {  	_ =	strace s4  }
0x94: {  	s4 =	sld [smem:$0x3FFC];
	_ =	sdelay $0x3  }
0x95: {  	_ =	strace s4  }
0x96: {  	s4 =	sld [smem:$0x3FFD];
	_ =	sdelay $0x3  }
0x97: {  	_ =	strace s4  }
0x98: {  	_ =	strace $0x8FFFFFFF  }
0x99: {  	s19 =	sld [smem:$0x3FDB];
	_ =	sdelay $0x1  }
0x9a: {  	s5 =	simm.s32 $_scs_section_size  }
0x9b: {  	s6 =	simm.s32 $_size__tile_overlayer_lowered;
	s7 =	simm.s32 $_tile_overlayer_lowered  }
0x9c: {  	s22 =	simm.s32 $0x1BFF;
	s21 =	sshll.u32 s7, $0x1;
	s4 =	sadd.s32 s5, s19  }
0x9d: {  	s8 =	simm.s32 $0x0;
	s20 =	sshll.u32 s6, $0x1;
	s6 =	sadd.s32 s21, s4  }
0x9e: {  	[timem:s8], [sflag:s22] =	dma.local [hbm:s6], s20  }
0x9f: {  	_ =	swait.ge [sflag:s22], s20  }
0xa0: {  	s5 =	ssub.s32 $0x0, s20;
	[sflag:s22] =	ssyncset.done $0x0  }
0xa1: {  	[sflag:s22] =	ssyncadd.s32 s5;
	_ =	sdelay $0x1  }
0xa2: {  	s23 =	simm.s32 $0x1B8B  }
0xa3: {  	_ =	swait.ge [sflag:s23], $0x1  }
0xa4: {  	[sflag:s23] =	ssyncset.done $0x0  }
0xa5: {  	s25 =	simm.s32 $0x1B8E;
	s24 =	sld [smem:$0x3FFE];
	[sflag:s23] =	ssyncadd.s32 $0xFFFFFFFF  }
0xa6: {  	s26 =	simm.s32 $execute0_lowered;
	[smem:$0x3FD2] =	sst s25  }
0xa7: {  	s6 =	sshll.u32 s26, $0x1;
	_ =	strace $0x80000049;
	[dreg:$0x1] =	wrdreg $0xFFFFFFFF  }
0xa8: {  	s28 =	simm.s32 $_size_execute0_lowered;
	s4 =	sadd.s32 s4, s6;
	[dreg:$0x0] =	wrdreg $0x0  }
0xa9: {  	s6 =	sshll.u32 s28, $0x1;
	[dreg:$0x2] =	wrdreg s4  }
0xaa: {  	[dreg:$0x3] =	wrdreg s6  }
0xab: {  	[dreg:$0x4] =	wrdreg $0xC0  }
0xac: {  	_ =	task [dreg:s8], $0x5FFFF  }
0xad: {  	[dreg:$0x1] =	wrdreg $0xFFFFFFFF  }
0xae: {  	[dreg:$0x0] =	wrdreg $0x60  }
0xaf: {  	[dreg:$0x2] =	wrdreg s24  }
0xb0: {  	[dreg:$0x3] =	wrdreg s18  }
0xb1: {  	[dreg:$0x4] =	wrdreg s2  }
0xb2: {  	[dreg:$0x5] =	wrdreg $0x9  }
0xb3: {  	_ =	task.clear_ibuf [dreg:s8], $0x6FFFF;
	_ =	strace $0x90000049  }
0xb4: {  	s29 =	simm.s32 $0x9;
	_ =	strace $0x8000004B  }
0xb5: {  	_ =	swait.ge [sflag:s29], $0x1  }
0xb6: {  	[sflag:s29] =	ssyncadd.s32 $0xFFFFFFFF  }
0xb7: {  	_ =	strace $0x9000004B  }
0xb8: {  	_ =	sfence  }
0xb9: {  	s30 =	sld [smem:$0x0];
	_ =	sdelay $0x2  }
0xba: {  	s31 =	sshll.u32 s1, $0xD;
	s1 =	sshrl.u32 s1, $0x2  }
0xbb: {  	s3 =	sand.u32 $0x4000, s31;
	s1 =	sadd.s32 s1, s30  }
0xbc: {  	s0 =	sor.u32 s3, s0;
	s1 =	sshll.u32 s1, $0x11  }
0xbd: {  	s0 =	sor.u32 s1, s0  }
0xbe: {  	s0 =	sadd.s32 $0x8F2B, s0  }
0xbf: {  	[sflag:s0] =	ssyncadd.remote.s32 $0x1  }
0xc0: {  	_ =	sfence.sel $0xFFFF  }
0xc1: {  	[dreg:$0x0] =	wrdreg $0xFFFFFFFF;
	(pc) =	sbr.abs _section_cstart, $3  }
0xc2: {  	[dreg:$0x1] =	wrdreg $0xFFFFFFFF  }
0xc3: {  	_ =	task.clear_ibuf [dreg:s8], $0x2FFFF;
	_ =	strace $0x9FFFFFFF  }
0xc4: {  	(tm) =	ssettm $0x7FFFFFFF  }
0xc5: {  	_ =	shalt  }
tec
execute0_lowered:
.L_overlay_start_1:
0x0: {  	(tag) =	ssettag $0x1  }
0x1: {  	s0 =	rddreg [dreg:$0x0]  }
0x2: {  	s2 =	rddreg [dreg:$0x1]  }
0x3: {  	s1 =	rddreg [dreg:$0x2];
	s3 =	simm.s32 $0x0  }
0x4: {  	s4 =	srdreg.scid;
	s6 =	stileid.u32;
	s15 =	simm.s32 $0x2  }
0x5: {  	s16 =	simm.s32 $0x80;
	s17 =	simm.s32 $0x100;
	s13 =	simm.s32 $0x9D00  }
0x6: {  	s14 =	simm.s32 $0xA900;
	s28 =	simm.s32 $0xC100;
	s29 =	simm.s32 $0xE100  }
0x7: {  	s30 =	simm.s32 $0x0;
	[smem:$0x7FF] =	sst s3;
	s5 =	sand.u32 $0x1, s4  }
0x8: {  	s4 =	sadd.s32 $0x8B000, s0;
	s6 =	sshll.u32 s6, $0x8;
	s8 =	sadd.s32 $0x8AE00, s0  }
0x9: {  	s9 =	sadd.s32 $0x1E00, s0;
	s11 =	sadd.s32 $0x31E00, s0;
	s7 =	sshll.u32 s5, $0x7  }
0xa: {  	_ =	strace $0x8000004A;
	s5 =	ssub.s32 $0x2, s5;
	s6 =	sor.u32 s7, s6  }
0xb: {  	s19 =	sshrl.u32 s5, $0x1;
	s7 =	sadd.s32 $0x8B100, s0;
	s10 =	sshrl.u32 s6, $0x3  }
0xc: {  	s5 =	ssub.s32 s5, s19;
	s12 =	sor.u32 $0x40, s6;
	s22 =	sshll.u32 s6, $0x4  }
0xd: {  	s20 =	sadd.s32 s8, s10;
	s21 =	sadd.s32 s2, s10;
	s10 =	smul.u32 $0x180, s10  }
0xe: {  	s23 =	sshrl.u32 s12, $0x3;
	s0 =	sadd.s32 s11, s22;
	[dreg:$0x4] =	wrdreg s20  }
0xf: {  	s25 =	sshll.u32 s12, $0x4;
	s31 =	smax.u32 s5, $0x1;
	[dreg:$0x5] =	wrdreg s21  }
0x10: {  	s5 =	simm.s32 $0x1;
	s12 =	simm.s32 $0x9100;
	[dreg:$0x7] =	wrdreg s0  }
0x11: {  	s22 =	simm.s32 $0xA500;
	s8 =	sadd.s32 s8, s23;
	[dreg:$0xc] =	wrdreg s31  }
0x12: {  	s24 =	smul.u32 $0x180, s23;
	s2 =	sadd.s32 s2, s23;
	[dreg:$0x8] =	wrdreg s8  }
0x13: {  	s26 =	sadd.s32 s11, s25;
	s21 =	simm.s32 $0x9900;
	[dreg:$0x9] =	wrdreg s2  }
0x14: {  	v2 =	vlaneseq.u32;
	s23 =	simm.s32 $0xB100;
	s10 =	sadd.s32 s9, s10;
	[dreg:$0xb] =	wrdreg s26  }
0x15: {  	vm0 =	vmmov $0xffff;
	vm1 =	vmmov $0xff;
	v1 =	vshrl.u32 v2, $0x3;
	s25 =	simm.s32 $0xBD00;
	[dreg:$0x6] =	wrdreg s10;
	s0 =	sadd.s32 s9, s24  }
0x16: {  	v0 =	vand.u32 $0x7, v2;
	v2 =	vor.u32 $0x8, v2;
	v1 =	vmul.u32 $0x8, v1;
	s26 =	simm.s32 $0x40;
	s24 =	simm.s32 $0xB500;
	[dreg:$0xa] =	wrdreg s0  }
.LBB2_1:
0x17: {  	s0 =	rddreg [dreg:$0x4]  }
0x18: {  	[tilespmem:s3], [sflag:$0x2] =	stream.linear.gather [hbm4b:s0+s3], $0x40, $0x38;
	[tilespmem:$0x10100] =	vst v63  }
0x19: {  	_ =	swait.ge [sflag:s15], $0x40  }
0x1a: {  	[sflag:s15] =	ssyncset.done $0x0  }
0x1b: {  	s8 =	rddreg [dreg:$0x5];
	[sflag:s15] =	ssyncadd.s32 $0xFFFFFFC0  }
0x1c: {  	[tilespmem:s16], [sflag:$0x2] =	stream.linear.gather [hbm4b:s8+s3], $0x40, $0x38;
	[tilespmem:$0x10100] =	vst v63  }
0x1d: {  	_ =	swait.ge [sflag:s15], $0x40  }
0x1e: {  	[sflag:s15] =	ssyncset.done $0x0  }
0x1f: {  	[sflag:s15] =	ssyncadd.s32 $0xFFFFFFC0  }
0x20: {  	v3 =	vld [tilespmem:$0x0];
	_ =	sdelay $0x4  }
0x21: {  	v4 =	vshrl.u32 v3, $0x3  }
0x22: {  	v4 =	vmul.u32 $0x18, v4  }
0x23: {  	v3 =	vand.u32 $0x7, v3  }
0x24: {  	v3 =	vor.u32 v3, v4  }
0x25: {  	v4 =	vperm.xlane v3, v0;
	_ =	sdelay $0x1  }
0x26: {  	v4 =	vadd.s32 v1, v4;
	_ =	sdelay $0x1  }
0x27: {  	v3 =	vperm.xlane v3, v2;
	_ =	sdelay $0x1  }
0x28: {  	v3 =	vadd.s32 v1, v3  }
0x29: {  	[tilespmem:s17], [sflag:$0x1] =	stream.indirect_vreg.gather [hbm4b:s4+s3], $0x80, v4, vm0, $0xb8;
	[tilespmem:$0x10100] =	vst v63  }
0x2a: {  	s9 =	simm.s32 $0x900  }
0x2b: {  	[tilespmem:s9], [sflag:$0x1] =	stream.indirect_vreg.gather [hbm4b:s7+s3], $0x80, v4, vm1, $0xb8;
	[tilespmem:$0x10100] =	vst v63  }
0x2c: {  	s10 =	simm.s32 $0xD00  }
0x2d: {  	[tilespmem:s10], [sflag:$0x1] =	stream.indirect_vreg.gather [hbm4b:s4+s3], $0x80, v3, vm0, $0xb8;
	[tilespmem:$0x10100] =	vst v63  }
0x2e: {  	s11 =	simm.s32 $0x1500  }
0x2f: {  	[tilespmem:s11], [sflag:$0x1] =	stream.indirect_vreg.gather [hbm4b:s7+s3], $0x80, v3, vm1, $0xb8;
	[tilespmem:$0x10100] =	vst v63  }
0x30: {  	v3 =	vld [tilespmem:$0x10];
	_ =	sdelay $0x4  }
0x31: {  	v4 =	vshrl.u32 v3, $0x3  }
0x32: {  	v4 =	vmul.u32 $0x18, v4  }
0x33: {  	v3 =	vand.u32 $0x7, v3  }
0x34: {  	v3 =	vor.u32 v3, v4  }
0x35: {  	v4 =	vperm.xlane v3, v0;
	_ =	sdelay $0x1  }
0x36: {  	v4 =	vadd.s32 v1, v4;
	_ =	sdelay $0x1  }
0x37: {  	v3 =	vperm.xlane v3, v2;
	_ =	sdelay $0x1  }
0x38: {  	s18 =	simm.s32 $0x1900;
	v3 =	vadd.s32 v1, v3  }
0x39: {  	[tilespmem:s18], [sflag:$0x1] =	stream.indirect_vreg.gather [hbm4b:s4+s3], $0x80, v4, vm0, $0xb8;
	[tilespmem:$0x10100] =	vst v63  }
0x3a: {  	s19 =	simm.s32 $0x2100  }
0x3b: {  	[tilespmem:s19], [sflag:$0x1] =	stream.indirect_vreg.gather [hbm4b:s7+s3], $0x80, v4, vm1, $0xb8;
	[tilespmem:$0x10100] =	vst v63  }
0x3c: {  	s20 =	simm.s32 $0x2500  }
0x3d: {  	[tilespmem:s20], [sflag:$0x1] =	stream.indirect_vreg.gather [hbm4b:s4+s3], $0x80, v3, vm0, $0xb8;
	[tilespmem:$0x10100] =	vst v63  }
0x3e: {  	s2 =	simm.s32 $0x2D00  }
0x3f: {  	[tilespmem:s2], [sflag:$0x1] =	stream.indirect_vreg.gather [hbm4b:s7+s3], $0x80, v3, vm1, $0xb8;
	[tilespmem:$0x10100] =	vst v63  }
0x40: {  	v3 =	vld [tilespmem:$0x20];
	_ =	sdelay $0x4  }
0x41: {  	v4 =	vshrl.u32 v3, $0x3  }
0x42: {  	v4 =	vmul.u32 $0x18, v4  }
0x43: {  	v3 =	vand.u32 $0x7, v3  }
0x44: {  	v3 =	vor.u32 v3, v4  }
0x45: {  	v4 =	vperm.xlane v3, v0;
	_ =	sdelay $0x1  }
0x46: {  	v4 =	vadd.s32 v1, v4;
	_ =	sdelay $0x1  }
0x47: {  	v3 =	vperm.xlane v3, v2;
	_ =	sdelay $0x1  }
0x48: {  	s6 =	simm.s32 $0x3100;
	v3 =	vadd.s32 v1, v3  }
0x49: {  	[tilespmem:s6], [sflag:$0x1] =	stream.indirect_vreg.gather [hbm4b:s4+s3], $0x80, v4, vm0, $0xb8;
	[tilespmem:$0x10100] =	vst v63  }
0x4a: {  	s8 =	simm.s32 $0x3900  }
0x4b: {  	[tilespmem:s8], [sflag:$0x1] =	stream.indirect_vreg.gather [hbm4b:s7+s3], $0x80, v4, vm1, $0xb8;
	[tilespmem:$0x10100] =	vst v63  }
0x4c: {  	s9 =	simm.s32 $0x3D00  }
0x4d: {  	[tilespmem:s9], [sflag:$0x1] =	stream.indirect_vreg.gather [hbm4b:s4+s3], $0x80, v3, vm0, $0xb8;
	[tilespmem:$0x10100] =	vst v63  }
0x4e: {  	s10 =	simm.s32 $0x4500  }
0x4f: {  	[tilespmem:s10], [sflag:$0x1] =	stream.indirect_vreg.gather [hbm4b:s7+s3], $0x80, v3, vm1, $0xb8;
	[tilespmem:$0x10100] =	vst v63  }
0x50: {  	v3 =	vld [tilespmem:$0x30];
	_ =	sdelay $0x4  }
0x51: {  	v4 =	vshrl.u32 v3, $0x3  }
0x52: {  	v4 =	vmul.u32 $0x18, v4  }
0x53: {  	v3 =	vand.u32 $0x7, v3  }
0x54: {  	v3 =	vor.u32 v3, v4  }
0x55: {  	v4 =	vperm.xlane v3, v0;
	_ =	sdelay $0x1  }
0x56: {  	v4 =	vadd.s32 v1, v4;
	_ =	sdelay $0x1  }
0x57: {  	v3 =	vperm.xlane v3, v2;
	_ =	sdelay $0x1  }
0x58: {  	s11 =	simm.s32 $0x4900;
	v3 =	vadd.s32 v1, v3  }
0x59: {  	[tilespmem:s11], [sflag:$0x1] =	stream.indirect_vreg.gather [hbm4b:s4+s3], $0x80, v4, vm0, $0xb8;
	[tilespmem:$0x10100] =	vst v63  }
0x5a: {  	s18 =	simm.s32 $0x5100  }
0x5b: {  	[tilespmem:s18], [sflag:$0x1] =	stream.indirect_vreg.gather [hbm4b:s7+s3], $0x80, v4, vm1, $0xb8;
	[tilespmem:$0x10100] =	vst v63  }
0x5c: {  	s19 =	simm.s32 $0x5500  }
0x5d: {  	[tilespmem:s19], [sflag:$0x1] =	stream.indirect_vreg.gather [hbm4b:s4+s3], $0x80, v3, vm0, $0xb8;
	[tilespmem:$0x10100] =	vst v63  }
0x5e: {  	s20 =	simm.s32 $0x5D00  }
0x5f: {  	[tilespmem:s20], [sflag:$0x1] =	stream.indirect_vreg.gather [hbm4b:s7+s3], $0x80, v3, vm1, $0xb8;
	[tilespmem:$0x10100] =	vst v63  }
0x60: {  	_ =	swait.ge [sflag:s5], $0x6000  }
0x61: {  	[sflag:s5] =	ssyncset.done $0x0  }
0x62: {  	[sflag:s5] =	ssyncadd.s32 $0xFFFFA000  }
0x63: {  	v3 =	vld [tilespmem:$0x80];
	_ =	sdelay $0x4  }
0x64: {  	v4 =	vshrl.u32 v3, $0x3  }
0x65: {  	v4 =	vmul.u32 $0x18, v4  }
0x66: {  	v3 =	vand.u32 $0x7, v3  }
0x67: {  	v3 =	vor.u32 v3, v4  }
0x68: {  	v4 =	vperm.xlane v3, v0;
	_ =	sdelay $0x1  }
0x69: {  	v4 =	vadd.s32 v1, v4;
	_ =	sdelay $0x1  }
0x6a: {  	v3 =	vperm.xlane v3, v2;
	_ =	sdelay $0x1  }
0x6b: {  	s2 =	simm.s32 $0x6100;
	v3 =	vadd.s32 v1, v3  }
0x6c: {  	[tilespmem:s2], [sflag:$0x1] =	stream.indirect_vreg.gather [hbm4b:s4+s3], $0x80, v4, vm0, $0xb8;
	[tilespmem:$0x10100] =	vst v63  }
0x6d: {  	s6 =	simm.s32 $0x6900  }
0x6e: {  	[tilespmem:s6], [sflag:$0x1] =	stream.indirect_vreg.gather [hbm4b:s7+s3], $0x80, v4, vm1, $0xb8;
	[tilespmem:$0x10100] =	vst v63  }
0x6f: {  	s8 =	simm.s32 $0x6D00  }
0x70: {  	[tilespmem:s8], [sflag:$0x1] =	stream.indirect_vreg.gather [hbm4b:s4+s3], $0x80, v3, vm0, $0xb8;
	[tilespmem:$0x10100] =	vst v63  }
0x71: {  	s9 =	simm.s32 $0x7500  }
0x72: {  	[tilespmem:s9], [sflag:$0x1] =	stream.indirect_vreg.gather [hbm4b:s7+s3], $0x80, v3, vm1, $0xb8;
	[tilespmem:$0x10100] =	vst v63  }
0x73: {  	v3 =	vld [tilespmem:$0x90];
	_ =	sdelay $0x4  }
0x74: {  	v4 =	vshrl.u32 v3, $0x3  }
0x75: {  	v4 =	vmul.u32 $0x18, v4  }
0x76: {  	v3 =	vand.u32 $0x7, v3  }
0x77: {  	v3 =	vor.u32 v3, v4  }
0x78: {  	v4 =	vperm.xlane v3, v0;
	_ =	sdelay $0x1  }
0x79: {  	v4 =	vadd.s32 v1, v4;
	_ =	sdelay $0x1  }
0x7a: {  	v3 =	vperm.xlane v3, v2;
	_ =	sdelay $0x1  }
0x7b: {  	s10 =	simm.s32 $0x7900;
	v3 =	vadd.s32 v1, v3  }
0x7c: {  	[tilespmem:s10], [sflag:$0x1] =	stream.indirect_vreg.gather [hbm4b:s4+s3], $0x80, v4, vm0, $0xb8;
	[tilespmem:$0x10100] =	vst v63  }
0x7d: {  	s11 =	simm.s32 $0x8100  }
0x7e: {  	[tilespmem:s11], [sflag:$0x1] =	stream.indirect_vreg.gather [hbm4b:s7+s3], $0x80, v4, vm1, $0xb8;
	[tilespmem:$0x10100] =	vst v63  }
0x7f: {  	s18 =	simm.s32 $0x8500  }
0x80: {  	[tilespmem:s18], [sflag:$0x1] =	stream.indirect_vreg.gather [hbm4b:s4+s3], $0x80, v3, vm0, $0xb8;
	[tilespmem:$0x10100] =	vst v63  }
0x81: {  	s19 =	simm.s32 $0x8D00  }
0x82: {  	[tilespmem:s19], [sflag:$0x1] =	stream.indirect_vreg.gather [hbm4b:s7+s3], $0x80, v3, vm1, $0xb8;
	[tilespmem:$0x10100] =	vst v63  }
0x83: {  	v3 =	vld [tilespmem:$0xA0];
	_ =	sdelay $0x4  }
0x84: {  	v4 =	vshrl.u32 v3, $0x3  }
0x85: {  	v4 =	vmul.u32 $0x18, v4  }
0x86: {  	v3 =	vand.u32 $0x7, v3  }
0x87: {  	v3 =	vor.u32 v3, v4  }
0x88: {  	v4 =	vperm.xlane v3, v0;
	_ =	sdelay $0x1  }
0x89: {  	v4 =	vadd.s32 v1, v4;
	_ =	sdelay $0x1  }
0x8a: {  	v3 =	vperm.xlane v3, v2;
	_ =	sdelay $0x1  }
0x8b: {  	v3 =	vadd.s32 v1, v3  }
0x8c: {  	[tilespmem:s12], [sflag:$0x1] =	stream.indirect_vreg.gather [hbm4b:s4+s3], $0x80, v4, vm0, $0xb8;
	[tilespmem:$0x10100] =	vst v63  }
0x8d: {  	_ = 	snop  }
0x8e: {  	[tilespmem:s21], [sflag:$0x1] =	stream.indirect_vreg.gather [hbm4b:s7+s3], $0x80, v4, vm1, $0xb8;
	[tilespmem:$0x10100] =	vst v63  }
0x8f: {  	_ = 	snop  }
0x90: {  	[tilespmem:s13], [sflag:$0x1] =	stream.indirect_vreg.gather [hbm4b:s4+s3], $0x80, v3, vm0, $0xb8;
	[tilespmem:$0x10100] =	vst v63  }
0x91: {  	_ = 	snop  }
0x92: {  	[tilespmem:s22], [sflag:$0x1] =	stream.indirect_vreg.gather [hbm4b:s7+s3], $0x80, v3, vm1, $0xb8;
	[tilespmem:$0x10100] =	vst v63  }
0x93: {  	v3 =	vld [tilespmem:$0xB0];
	_ =	sdelay $0x4  }
0x94: {  	v4 =	vshrl.u32 v3, $0x3  }
0x95: {  	v4 =	vmul.u32 $0x18, v4  }
0x96: {  	v3 =	vand.u32 $0x7, v3  }
0x97: {  	v3 =	vor.u32 v3, v4  }
0x98: {  	v4 =	vperm.xlane v3, v0;
	_ =	sdelay $0x1  }
0x99: {  	v4 =	vadd.s32 v1, v4;
	_ =	sdelay $0x1  }
0x9a: {  	v3 =	vperm.xlane v3, v2;
	_ =	sdelay $0x1  }
0x9b: {  	v3 =	vadd.s32 v1, v3  }
0x9c: {  	[tilespmem:s14], [sflag:$0x1] =	stream.indirect_vreg.gather [hbm4b:s4+s3], $0x80, v4, vm0, $0xb8;
	[tilespmem:$0x10100] =	vst v63  }
0x9d: {  	_ = 	snop  }
0x9e: {  	[tilespmem:s23], [sflag:$0x1] =	stream.indirect_vreg.gather [hbm4b:s7+s3], $0x80, v4, vm1, $0xb8;
	[tilespmem:$0x10100] =	vst v63  }
0x9f: {  	s20 =	smul.u32 $0xAAAB, s3  }
0xa0: {  	[tilespmem:s24], [sflag:$0x1] =	stream.indirect_vreg.gather [hbm4b:s4+s3], $0x80, v3, vm0, $0xb8;
	[tilespmem:$0x10100] =	vst v63  }
0xa1: {  	s0 =	sshrl.u32 s20, $0xD  }
0xa2: {  	[tilespmem:s25], [sflag:$0x1] =	stream.indirect_vreg.gather [hbm4b:s7+s3], $0x80, v3, vm1, $0xb8;
	[tilespmem:$0x10100] =	vst v63  }
0xa3: {  	s0 =	sand.u32 $0x380, s0;
	s2 =	sshrl.u32 s20, $0x14;
	_ =	swait.ge [sflag:s5], $0x6000  }
0xa4: {  	s2 =	smul.u32 $0x18, s2;
	s6 =	simm.s32 $0x1;
	[sflag:s5] =	ssyncset.done $0x0  }
0xa5: {  	s6 =	smul.u32 $0xAAAB, s6;
	s8 =	sshrl.u32 s20, $0x17;
	[sflag:s5] =	ssyncadd.s32 $0xFFFFA000  }
0xa6: {  	[tilespmem:s28], [sflag:$0x1] =	stream.indirect.gather [hbm4b:s1+s26], $0x80, s3, s26, $0xb8;
	[tilespmem:$0x10100] =	vst v63  }
0xa7: {  	s2 =	ssub.s32 $0x0, s2;
	s8 =	smul.u32 $0xC00, s8;
	_ =	swait.ge [sflag:s5], $0x2000  }
0xa8: {  	s9 =	sshll.u32 s2, $0x7;
	s2 =	sshll.u32 s2, $0x4;
	[sflag:s5] =	ssyncset.done $0x0  }
0xa9: {  	s9 =	sand.u32 $0xC00, s9;
	s2 =	sand.u32 $0x70, s2;
	[sflag:s5] =	ssyncadd.s32 $0xFFFFE000  }
0xaa: {  	[tilespmem:s29], [sflag:$0x1] =	stream.indirect.gather [hbm4b:s1+s26], $0x80, s16, s26, $0xb8;
	[tilespmem:$0x10100] =	vst v63  }
0xab: {  	s8 =	sadd.s32 s9, s8;
	s10 =	sshrl.u32 s6, $0x14;
	_ =	swait.ge [sflag:s5], $0x2000  }
0xac: {  	s0 =	sor.u32 s0, s8;
	s10 =	smul.u32 $0x18, s10;
	[sflag:s5] =	ssyncset.done $0x0  }
0xad: {  	s31 =	simm.s32 $0x2;
	s0 =	sor.u32 s2, s0;
	[sflag:s5] =	ssyncadd.s32 $0xFFFFE000  }
0xae: {  	s2 =	smul.u32 $0xAAAB, s31;
	s11 =	sshrl.u32 s6, $0x17;
	s18 =	ssub.s32 $0x1, s10;
	v3 =	vld [tilespmem:s0+$0x6100]  }
0xaf: {  	s6 =	sshrl.u32 s6, $0xD;
	s20 =	sshll.u32 s18, $0x7;
	s19 =	smul.u32 $0xC00, s11;
	v4 =	vld [tilespmem:s0+$0x100]  }
0xb0: {  	s8 =	sshrl.u32 s2, $0x14;
	s9 =	sand.u32 $0x380, s6;
	s11 =	sand.u32 $0xC00, s20  }
0xb1: {  	s6 =	simm.s32 $0x3;
	s18 =	sshll.u32 s18, $0x4;
	s10 =	sadd.s32 s11, s19  }
.LBB2_2:
0xb2: {  	p0 =	sne.s32 s6, $0x5FF;
	s11 =	sand.u32 $0x70, s18;
	s9 =	sor.u32 s9, s10  }
0xb3: {  	s10 =	smov.u32 s2;
	s18 =	smov.u32 s31;
	s31 =	smov.u32 s6  }
0xb4: {  	s8 =	smul.u32 $0x18, s8;
	s2 =	sor.u32 s11, s9;
	v4 =	vand.u32 v4, v3  }
.Ltmp0:
0xb5: {  	v3 =	vld [tilespmem:s2+$0x6100];
	[tilespmem:s0+$0x100] =	vst v4;
	s0 =	smov.u32 s2;
	(pc) =	sbr.rel @p0 .LBB2_2-.Ltmp0, $4  }
0xb6: {  	s2 =	smul.u32 $0xAAAB, s6;
	s11 =	ssub.s32 s18, s8;
	s8 =	sshrl.u32 s10, $0x17;
	v4 =	vld [tilespmem:s0+$0x100]  }
0xb7: {  	s10 =	sshrl.u32 s10, $0xD;
	s19 =	smul.u32 $0xC00, s8;
	s9 =	sshll.u32 s11, $0x7  }
0xb8: {  	s8 =	sshrl.u32 s2, $0x14;
	s20 =	sand.u32 $0xC00, s9;
	s9 =	sand.u32 $0x380, s10  }
0xb9: {  	s6 =	sadd.s32 $0x1, s6;
	s18 =	sshll.u32 s11, $0x4;
	s10 =	sadd.s32 s20, s19  }
0xba: {  	s6 =	sand.u32 $0x70, s18;
	s9 =	sor.u32 s9, s10  }
0xbb: {  	s8 =	smul.u32 $0x18, s8;
	s6 =	sor.u32 s6, s9;
	v3 =	vand.u32 v4, v3  }
0xbc: {  	v4 =	vld [tilespmem:s6+$0x6100];
	[tilespmem:s0+$0x100] =	vst v3  }
0xbd: {  	s19 =	sshrl.u32 s2, $0x17;
	s18 =	ssub.s32 s31, s8;
	v3 =	vld [tilespmem:s6+$0x100]  }
0xbe: {  	s8 =	smul.u32 $0xC00, s19;
	s20 =	sshll.u32 s18, $0x7  }
0xbf: {  	s31 =	sshrl.u32 s2, $0xD;
	s9 =	sand.u32 $0xC00, s20  }
0xc0: {  	s2 =	sand.u32 $0x380, s31;
	s0 =	sshll.u32 s18, $0x4;
	s8 =	sadd.s32 s9, s8  }
0xc1: {  	s0 =	sand.u32 $0x70, s0;
	s2 =	sor.u32 s2, s8  }
0xc2: {  	s0 =	sor.u32 s0, s2;
	v3 =	vand.u32 v3, v4  }
0xc3: {  	v4 =	vld [tilespmem:s0+$0x6100];
	[tilespmem:s6+$0x100] =	vst v3  }
0xc4: {  	v3 =	vld [tilespmem:s0+$0x100];
	_ =	sdelay $0x4  }
0xc5: {  	v3 =	vand.u32 v3, v4  }
0xc6: {  	[tilespmem:s0+$0x100] =	vst v3;
	s0 =	simm.s32 $0x0  }
0xc7: {  	s2 =	simm.s32 $0x40;
	v3 =	vld [tilespmem:s0+$0xE100]  }
.LBB2_4:
0xc8: {  	p0 =	sne.s32 s2, $0x7FC0;
	v4 =	vld [tilespmem:s0+$0xC100];
	_ =	sdelay $0x2  }
.Ltmp1:
0xc9: {  	(pc) =	sbr.rel @p0 .LBB2_4-.Ltmp1, $4  }
0xca: {  	_ = 	snop  }
0xcb: {  	v4 =	vmul.f32 v3, v4  }
0xcc: {  	s6 =	sshra.s32 s2, $0x2  }
0xcd: {  	s2 =	sadd.s32 $0x40, s2;
	v3 =	vld [tilespmem:s6+$0xE100];
	[tilespmem:s0+$0xC100] =	vst v4;
	s0 =	smov.u32 s6  }
0xce: {  	v4 =	vld [tilespmem:s0+$0xC100];
	_ =	sdelay $0x4  }
0xcf: {  	v3 =	vmul.f32 v3, v4;
	_ =	sdelay $0x1  }
0xd0: {  	s31 =	simm.s32 $0x0;
	s10 =	rddreg [dreg:$0x6];
	[tilespmem:s0+$0xC100] =	vst v3  }
0xd1: {  	[hbm4b:s10+s31] =	stream.linear.scatter [tilespmem:s17], [sflag:$0x2], $0x6000, $0x38;
	[tilespmem:$0x10100] =	vst v63  }
0xd2: {  	_ =	swait.ge [sflag:s15], $0x6000  }
0xd3: {  	[sflag:s15] =	ssyncset.done $0x0  }
0xd4: {  	s11 =	rddreg [dreg:$0x7];
	[sflag:s15] =	ssyncadd.s32 $0xFFFFA000  }
0xd5: {  	[hbm4b:s11+s31] =	stream.linear.scatter [tilespmem:s28], [sflag:$0x2], $0x2000, $0x38;
	[tilespmem:$0x10100] =	vst v63  }
0xd6: {  	_ =	swait.ge [sflag:s15], $0x2000  }
0xd7: {  	[sflag:s15] =	ssyncset.done $0x0  }
0xd8: {  	s18 =	rddreg [dreg:$0x8];
	[sflag:s15] =	ssyncadd.s32 $0xFFFFE000  }
0xd9: {  	[tilespmem:s31], [sflag:$0x2] =	stream.linear.gather [hbm4b:s18+s31], $0x40, $0x38;
	[tilespmem:$0x10100] =	vst v63  }
0xda: {  	_ =	swait.ge [sflag:s15], $0x40  }
0xdb: {  	[sflag:s15] =	ssyncset.done $0x0  }
0xdc: {  	s19 =	rddreg [dreg:$0x9];
	[sflag:s15] =	ssyncadd.s32 $0xFFFFFFC0  }
0xdd: {  	[tilespmem:s16], [sflag:$0x2] =	stream.linear.gather [hbm4b:s19+s31], $0x40, $0x38;
	[tilespmem:$0x10100] =	vst v63  }
0xde: {  	_ =	swait.ge [sflag:s15], $0x40  }
0xdf: {  	[sflag:s15] =	ssyncset.done $0x0  }
0xe0: {  	[sflag:s15] =	ssyncadd.s32 $0xFFFFFFC0  }
0xe1: {  	v3 =	vld [tilespmem:$0x0];
	_ =	sdelay $0x4  }
0xe2: {  	v4 =	vshrl.u32 v3, $0x3  }
0xe3: {  	v4 =	vmul.u32 $0x18, v4  }
0xe4: {  	v3 =	vand.u32 $0x7, v3  }
0xe5: {  	v3 =	vor.u32 v3, v4  }
0xe6: {  	v4 =	vperm.xlane v3, v0;
	_ =	sdelay $0x1  }
0xe7: {  	v4 =	vadd.s32 v1, v4;
	_ =	sdelay $0x1  }
0xe8: {  	v3 =	vperm.xlane v3, v2;
	_ =	sdelay $0x1  }
0xe9: {  	v3 =	vadd.s32 v1, v3  }
0xea: {  	[tilespmem:s17], [sflag:$0x1] =	stream.indirect_vreg.gather [hbm4b:s4+s31], $0x80, v4, vm0, $0xb8;
	[tilespmem:$0x10100] =	vst v63  }
0xeb: {  	s20 =	simm.s32 $0x900  }
0xec: {  	[tilespmem:s20], [sflag:$0x1] =	stream.indirect_vreg.gather [hbm4b:s7+s31], $0x80, v4, vm1, $0xb8;
	[tilespmem:$0x10100] =	vst v63  }
0xed: {  	s2 =	simm.s32 $0xD00  }
0xee: {  	[tilespmem:s2], [sflag:$0x1] =	stream.indirect_vreg.gather [hbm4b:s4+s31], $0x80, v3, vm0, $0xb8;
	[tilespmem:$0x10100] =	vst v63  }
0xef: {  	s6 =	simm.s32 $0x1500  }
0xf0: {  	[tilespmem:s6], [sflag:$0x1] =	stream.indirect_vreg.gather [hbm4b:s7+s31], $0x80, v3, vm1, $0xb8;
	[tilespmem:$0x10100] =	vst v63  }
0xf1: {  	v3 =	vld [tilespmem:$0x10];
	_ =	sdelay $0x4  }
0xf2: {  	v4 =	vshrl.u32 v3, $0x3  }
0xf3: {  	v4 =	vmul.u32 $0x18, v4  }
0xf4: {  	v3 =	vand.u32 $0x7, v3  }
0xf5: {  	v3 =	vor.u32 v3, v4  }
0xf6: {  	v4 =	vperm.xlane v3, v0;
	_ =	sdelay $0x1  }
0xf7: {  	v4 =	vadd.s32 v1, v4;
	_ =	sdelay $0x1  }
0xf8: {  	v3 =	vperm.xlane v3, v2;
	_ =	sdelay $0x1  }
0xf9: {  	s8 =	simm.s32 $0x1900;
	v3 =	vadd.s32 v1, v3  }
0xfa: {  	[tilespmem:s8], [sflag:$0x1] =	stream.indirect_vreg.gather [hbm4b:s4+s31], $0x80, v4, vm0, $0xb8;
	[tilespmem:$0x10100] =	vst v63  }
0xfb: {  	s9 =	simm.s32 $0x2100  }
0xfc: {  	[tilespmem:s9], [sflag:$0x1] =	stream.indirect_vreg.gather [hbm4b:s7+s31], $0x80, v4, vm1, $0xb8;
	[tilespmem:$0x10100] =	vst v63  }
0xfd: {  	s10 =	simm.s32 $0x2500  }
0xfe: {  	[tilespmem:s10], [sflag:$0x1] =	stream.indirect_vreg.gather [hbm4b:s4+s31], $0x80, v3, vm0, $0xb8;
	[tilespmem:$0x10100] =	vst v63  }
0xff: {  	s11 =	simm.s32 $0x2D00  }
0x100: {  	[tilespmem:s11], [sflag:$0x1] =	stream.indirect_vreg.gather [hbm4b:s7+s31], $0x80, v3, vm1, $0xb8;
	[tilespmem:$0x10100] =	vst v63  }
0x101: {  	v3 =	vld [tilespmem:$0x20];
	_ =	sdelay $0x4  }
0x102: {  	v4 =	vshrl.u32 v3, $0x3  }
0x103: {  	v4 =	vmul.u32 $0x18, v4  }
0x104: {  	v3 =	vand.u32 $0x7, v3  }
0x105: {  	v3 =	vor.u32 v3, v4  }
0x106: {  	v4 =	vperm.xlane v3, v0;
	_ =	sdelay $0x1  }
0x107: {  	v4 =	vadd.s32 v1, v4;
	_ =	sdelay $0x1  }
0x108: {  	v3 =	vperm.xlane v3, v2;
	_ =	sdelay $0x1  }
0x109: {  	s18 =	simm.s32 $0x3100;
	v3 =	vadd.s32 v1, v3  }
0x10a: {  	[tilespmem:s18], [sflag:$0x1] =	stream.indirect_vreg.gather [hbm4b:s4+s31], $0x80, v4, vm0, $0xb8;
	[tilespmem:$0x10100] =	vst v63  }
0x10b: {  	s19 =	simm.s32 $0x3900  }
0x10c: {  	[tilespmem:s19], [sflag:$0x1] =	stream.indirect_vreg.gather [hbm4b:s7+s31], $0x80, v4, vm1, $0xb8;
	[tilespmem:$0x10100] =	vst v63  }
0x10d: {  	s20 =	simm.s32 $0x3D00  }
0x10e: {  	[tilespmem:s20], [sflag:$0x1] =	stream.indirect_vreg.gather [hbm4b:s4+s31], $0x80, v3, vm0, $0xb8;
	[tilespmem:$0x10100] =	vst v63  }
0x10f: {  	s2 =	simm.s32 $0x4500  }
0x110: {  	[tilespmem:s2], [sflag:$0x1] =	stream.indirect_vreg.gather [hbm4b:s7+s31], $0x80, v3, vm1, $0xb8;
	[tilespmem:$0x10100] =	vst v63  }
0x111: {  	v3 =	vld [tilespmem:$0x30];
	_ =	sdelay $0x4  }
0x112: {  	v4 =	vshrl.u32 v3, $0x3  }
0x113: {  	v4 =	vmul.u32 $0x18, v4  }
0x114: {  	v3 =	vand.u32 $0x7, v3  }
0x115: {  	v3 =	vor.u32 v3, v4  }
0x116: {  	v4 =	vperm.xlane v3, v0;
	_ =	sdelay $0x1  }
0x117: {  	v4 =	vadd.s32 v1, v4;
	_ =	sdelay $0x1  }
0x118: {  	v3 =	vperm.xlane v3, v2;
	_ =	sdelay $0x1  }
0x119: {  	s6 =	simm.s32 $0x4900;
	v3 =	vadd.s32 v1, v3  }
0x11a: {  	[tilespmem:s6], [sflag:$0x1] =	stream.indirect_vreg.gather [hbm4b:s4+s31], $0x80, v4, vm0, $0xb8;
	[tilespmem:$0x10100] =	vst v63  }
0x11b: {  	s8 =	simm.s32 $0x5100  }
0x11c: {  	[tilespmem:s8], [sflag:$0x1] =	stream.indirect_vreg.gather [hbm4b:s7+s31], $0x80, v4, vm1, $0xb8;
	[tilespmem:$0x10100] =	vst v63  }
0x11d: {  	s9 =	simm.s32 $0x5500  }
0x11e: {  	[tilespmem:s9], [sflag:$0x1] =	stream.indirect_vreg.gather [hbm4b:s4+s31], $0x80, v3, vm0, $0xb8;
	[tilespmem:$0x10100] =	vst v63  }
0x11f: {  	s10 =	simm.s32 $0x5D00  }
0x120: {  	[tilespmem:s10], [sflag:$0x1] =	stream.indirect_vreg.gather [hbm4b:s7+s31], $0x80, v3, vm1, $0xb8;
	[tilespmem:$0x10100] =	vst v63  }
0x121: {  	_ =	swait.ge [sflag:s5], $0x6000  }
0x122: {  	[sflag:s5] =	ssyncset.done $0x0  }
0x123: {  	[sflag:s5] =	ssyncadd.s32 $0xFFFFA000  }
0x124: {  	v3 =	vld [tilespmem:$0x80];
	_ =	sdelay $0x4  }
0x125: {  	v4 =	vshrl.u32 v3, $0x3  }
0x126: {  	v4 =	vmul.u32 $0x18, v4  }
0x127: {  	v3 =	vand.u32 $0x7, v3  }
0x128: {  	v3 =	vor.u32 v3, v4  }
0x129: {  	v4 =	vperm.xlane v3, v0;
	_ =	sdelay $0x1  }
0x12a: {  	v4 =	vadd.s32 v1, v4;
	_ =	sdelay $0x1  }
0x12b: {  	v3 =	vperm.xlane v3, v2;
	_ =	sdelay $0x1  }
0x12c: {  	s11 =	simm.s32 $0x6100;
	v3 =	vadd.s32 v1, v3  }
0x12d: {  	[tilespmem:s11], [sflag:$0x1] =	stream.indirect_vreg.gather [hbm4b:s4+s31], $0x80, v4, vm0, $0xb8;
	[tilespmem:$0x10100] =	vst v63  }
0x12e: {  	s18 =	simm.s32 $0x6900  }
0x12f: {  	[tilespmem:s18], [sflag:$0x1] =	stream.indirect_vreg.gather [hbm4b:s7+s31], $0x80, v4, vm1, $0xb8;
	[tilespmem:$0x10100] =	vst v63  }
0x130: {  	s19 =	simm.s32 $0x6D00  }
0x131: {  	[tilespmem:s19], [sflag:$0x1] =	stream.indirect_vreg.gather [hbm4b:s4+s31], $0x80, v3, vm0, $0xb8;
	[tilespmem:$0x10100] =	vst v63  }
0x132: {  	s20 =	simm.s32 $0x7500  }
0x133: {  	[tilespmem:s20], [sflag:$0x1] =	stream.indirect_vreg.gather [hbm4b:s7+s31], $0x80, v3, vm1, $0xb8;
	[tilespmem:$0x10100] =	vst v63  }
0x134: {  	v3 =	vld [tilespmem:$0x90];
	_ =	sdelay $0x4  }
0x135: {  	v4 =	vshrl.u32 v3, $0x3  }
0x136: {  	v4 =	vmul.u32 $0x18, v4  }
0x137: {  	v3 =	vand.u32 $0x7, v3  }
0x138: {  	v3 =	vor.u32 v3, v4  }
0x139: {  	v4 =	vperm.xlane v3, v0;
	_ =	sdelay $0x1  }
0x13a: {  	v4 =	vadd.s32 v1, v4;
	_ =	sdelay $0x1  }
0x13b: {  	v3 =	vperm.xlane v3, v2;
	_ =	sdelay $0x1  }
0x13c: {  	s2 =	simm.s32 $0x7900;
	v3 =	vadd.s32 v1, v3  }
0x13d: {  	[tilespmem:s2], [sflag:$0x1] =	stream.indirect_vreg.gather [hbm4b:s4+s31], $0x80, v4, vm0, $0xb8;
	[tilespmem:$0x10100] =	vst v63  }
0x13e: {  	s6 =	simm.s32 $0x8100  }
0x13f: {  	[tilespmem:s6], [sflag:$0x1] =	stream.indirect_vreg.gather [hbm4b:s7+s31], $0x80, v4, vm1, $0xb8;
	[tilespmem:$0x10100] =	vst v63  }
0x140: {  	s8 =	simm.s32 $0x8500  }
0x141: {  	[tilespmem:s8], [sflag:$0x1] =	stream.indirect_vreg.gather [hbm4b:s4+s31], $0x80, v3, vm0, $0xb8;
	[tilespmem:$0x10100] =	vst v63  }
0x142: {  	s9 =	simm.s32 $0x8D00  }
0x143: {  	[tilespmem:s9], [sflag:$0x1] =	stream.indirect_vreg.gather [hbm4b:s7+s31], $0x80, v3, vm1, $0xb8;
	[tilespmem:$0x10100] =	vst v63  }
0x144: {  	v3 =	vld [tilespmem:$0xA0];
	_ =	sdelay $0x4  }
0x145: {  	v4 =	vshrl.u32 v3, $0x3  }
0x146: {  	v4 =	vmul.u32 $0x18, v4  }
0x147: {  	v3 =	vand.u32 $0x7, v3  }
0x148: {  	v3 =	vor.u32 v3, v4  }
0x149: {  	v4 =	vperm.xlane v3, v0;
	_ =	sdelay $0x1  }
0x14a: {  	v4 =	vadd.s32 v1, v4;
	_ =	sdelay $0x1  }
0x14b: {  	v3 =	vperm.xlane v3, v2;
	_ =	sdelay $0x1  }
0x14c: {  	v3 =	vadd.s32 v1, v3  }
0x14d: {  	[tilespmem:s12], [sflag:$0x1] =	stream.indirect_vreg.gather [hbm4b:s4+s31], $0x80, v4, vm0, $0xb8;
	[tilespmem:$0x10100] =	vst v63  }
0x14e: {  	_ = 	snop  }
0x14f: {  	[tilespmem:s21], [sflag:$0x1] =	stream.indirect_vreg.gather [hbm4b:s7+s31], $0x80, v4, vm1, $0xb8;
	[tilespmem:$0x10100] =	vst v63  }
0x150: {  	_ = 	snop  }
0x151: {  	[tilespmem:s13], [sflag:$0x1] =	stream.indirect_vreg.gather [hbm4b:s4+s31], $0x80, v3, vm0, $0xb8;
	[tilespmem:$0x10100] =	vst v63  }
0x152: {  	_ = 	snop  }
0x153: {  	[tilespmem:s22], [sflag:$0x1] =	stream.indirect_vreg.gather [hbm4b:s7+s31], $0x80, v3, vm1, $0xb8;
	[tilespmem:$0x10100] =	vst v63  }
0x154: {  	v3 =	vld [tilespmem:$0xB0];
	_ =	sdelay $0x4  }
0x155: {  	v4 =	vshrl.u32 v3, $0x3  }
0x156: {  	v4 =	vmul.u32 $0x18, v4  }
0x157: {  	v3 =	vand.u32 $0x7, v3  }
0x158: {  	v3 =	vor.u32 v3, v4  }
0x159: {  	v4 =	vperm.xlane v3, v0;
	_ =	sdelay $0x1  }
0x15a: {  	v4 =	vadd.s32 v1, v4;
	_ =	sdelay $0x1  }
0x15b: {  	v3 =	vperm.xlane v3, v2;
	_ =	sdelay $0x1  }
0x15c: {  	v3 =	vadd.s32 v1, v3  }
0x15d: {  	[tilespmem:s14], [sflag:$0x1] =	stream.indirect_vreg.gather [hbm4b:s4+s31], $0x80, v4, vm0, $0xb8;
	[tilespmem:$0x10100] =	vst v63  }
0x15e: {  	_ = 	snop  }
0x15f: {  	[tilespmem:s23], [sflag:$0x1] =	stream.indirect_vreg.gather [hbm4b:s7+s31], $0x80, v4, vm1, $0xb8;
	[tilespmem:$0x10100] =	vst v63  }
0x160: {  	s10 =	smul.u32 $0xAAAB, s31  }
0x161: {  	[tilespmem:s24], [sflag:$0x1] =	stream.indirect_vreg.gather [hbm4b:s4+s31], $0x80, v3, vm0, $0xb8;
	[tilespmem:$0x10100] =	vst v63  }
0x162: {  	s0 =	sshrl.u32 s10, $0xD  }
0x163: {  	[tilespmem:s25], [sflag:$0x1] =	stream.indirect_vreg.gather [hbm4b:s7+s31], $0x80, v3, vm1, $0xb8;
	[tilespmem:$0x10100] =	vst v63  }
0x164: {  	s0 =	sand.u32 $0x380, s0;
	s2 =	sshrl.u32 s10, $0x14;
	_ =	swait.ge [sflag:s5], $0x6000  }
0x165: {  	s2 =	smul.u32 $0x18, s2;
	s6 =	simm.s32 $0x1;
	[sflag:s5] =	ssyncset.done $0x0  }
0x166: {  	s6 =	smul.u32 $0xAAAB, s6;
	s8 =	sshrl.u32 s10, $0x17;
	[sflag:s5] =	ssyncadd.s32 $0xFFFFA000  }
0x167: {  	[tilespmem:s28], [sflag:$0x1] =	stream.indirect.gather [hbm4b:s1+s26], $0x80, s31, s26, $0xb8;
	[tilespmem:$0x10100] =	vst v63  }
0x168: {  	s2 =	ssub.s32 $0x0, s2;
	s8 =	smul.u32 $0xC00, s8;
	_ =	swait.ge [sflag:s5], $0x2000  }
0x169: {  	s10 =	sshrl.u32 s6, $0x14;
	s9 =	sshll.u32 s2, $0x7;
	[sflag:s5] =	ssyncset.done $0x0  }
0x16a: {  	s2 =	sshll.u32 s2, $0x4;
	s9 =	sand.u32 $0xC00, s9;
	[sflag:s5] =	ssyncadd.s32 $0xFFFFE000  }
0x16b: {  	[tilespmem:s29], [sflag:$0x1] =	stream.indirect.gather [hbm4b:s1+s26], $0x80, s16, s26, $0xb8;
	[tilespmem:$0x10100] =	vst v63  }
0x16c: {  	s11 =	smul.u32 $0x18, s10;
	s8 =	sadd.s32 s9, s8;
	_ =	swait.ge [sflag:s5], $0x2000  }
0x16d: {  	s2 =	sand.u32 $0x70, s2;
	s0 =	sor.u32 s0, s8;
	[sflag:s5] =	ssyncset.done $0x0  }
0x16e: {  	s18 =	sshrl.u32 s6, $0x17;
	s0 =	sor.u32 s2, s0;
	[sflag:s5] =	ssyncadd.s32 $0xFFFFE000  }
0x16f: {  	s19 =	smul.u32 $0xC00, s18;
	s11 =	ssub.s32 $0x1, s11;
	s31 =	simm.s32 $0x2;
	v3 =	vld [tilespmem:s0+$0x6100]  }
0x170: {  	s6 =	sshrl.u32 s6, $0xD;
	s20 =	sshll.u32 s11, $0x7;
	s2 =	smul.u32 $0xAAAB, s31;
	v4 =	vld [tilespmem:s0+$0x100]  }
0x171: {  	s9 =	sand.u32 $0x380, s6;
	s6 =	simm.s32 $0x3;
	s18 =	sand.u32 $0xC00, s20  }
0x172: {  	s10 =	sadd.s32 s18, s19;
	s18 =	sshll.u32 s11, $0x4;
	s8 =	sshrl.u32 s2, $0x14  }
.LBB2_6:
0x173: {  	p0 =	sne.s32 s6, $0x5FF;
	s11 =	sand.u32 $0x70, s18;
	s9 =	sor.u32 s9, s10  }
0x174: {  	s10 =	smov.u32 s2;
	s18 =	smov.u32 s31;
	s31 =	smov.u32 s6  }
0x175: {  	s8 =	smul.u32 $0x18, s8;
	s2 =	sor.u32 s11, s9;
	v4 =	vand.u32 v4, v3  }
.Ltmp2:
0x176: {  	v3 =	vld [tilespmem:s2+$0x6100];
	[tilespmem:s0+$0x100] =	vst v4;
	s0 =	smov.u32 s2;
	(pc) =	sbr.rel @p0 .LBB2_6-.Ltmp2, $4  }
0x177: {  	s2 =	smul.u32 $0xAAAB, s6;
	s11 =	ssub.s32 s18, s8;
	s8 =	sshrl.u32 s10, $0x17;
	v4 =	vld [tilespmem:s0+$0x100]  }
0x178: {  	s10 =	sshrl.u32 s10, $0xD;
	s19 =	smul.u32 $0xC00, s8;
	s9 =	sshll.u32 s11, $0x7  }
0x179: {  	s8 =	sshrl.u32 s2, $0x14;
	s20 =	sand.u32 $0xC00, s9;
	s9 =	sand.u32 $0x380, s10  }
0x17a: {  	s6 =	sadd.s32 $0x1, s6;
	s18 =	sshll.u32 s11, $0x4;
	s10 =	sadd.s32 s20, s19  }
0x17b: {  	s6 =	sand.u32 $0x70, s18;
	s9 =	sor.u32 s9, s10  }
0x17c: {  	s8 =	smul.u32 $0x18, s8;
	s6 =	sor.u32 s6, s9;
	v3 =	vand.u32 v4, v3  }
0x17d: {  	v4 =	vld [tilespmem:s6+$0x6100];
	[tilespmem:s0+$0x100] =	vst v3  }
0x17e: {  	s19 =	sshrl.u32 s2, $0x17;
	s18 =	ssub.s32 s31, s8;
	v3 =	vld [tilespmem:s6+$0x100]  }
0x17f: {  	s8 =	smul.u32 $0xC00, s19;
	s20 =	sshll.u32 s18, $0x7  }
0x180: {  	s31 =	sshrl.u32 s2, $0xD;
	s9 =	sand.u32 $0xC00, s20  }
0x181: {  	s2 =	sand.u32 $0x380, s31;
	s0 =	sshll.u32 s18, $0x4;
	s8 =	sadd.s32 s9, s8  }
0x182: {  	s0 =	sand.u32 $0x70, s0;
	s2 =	sor.u32 s2, s8  }
0x183: {  	s0 =	sor.u32 s0, s2;
	v3 =	vand.u32 v3, v4  }
0x184: {  	v4 =	vld [tilespmem:s0+$0x6100];
	[tilespmem:s6+$0x100] =	vst v3  }
0x185: {  	v3 =	vld [tilespmem:s0+$0x100];
	_ =	sdelay $0x4  }
0x186: {  	v3 =	vand.u32 v3, v4  }
0x187: {  	[tilespmem:s0+$0x100] =	vst v3;
	s0 =	simm.s32 $0x0  }
0x188: {  	s2 =	simm.s32 $0x40;
	v3 =	vld [tilespmem:s0+$0xE100]  }
.LBB2_8:
0x189: {  	p0 =	sne.s32 s2, $0x7FC0;
	v4 =	vld [tilespmem:s0+$0xC100];
	_ =	sdelay $0x2  }
.Ltmp3:
0x18a: {  	(pc) =	sbr.rel @p0 .LBB2_8-.Ltmp3, $4  }
0x18b: {  	_ = 	snop  }
0x18c: {  	v4 =	vmul.f32 v3, v4  }
0x18d: {  	s6 =	sshra.s32 s2, $0x2  }
0x18e: {  	s2 =	sadd.s32 $0x40, s2;
	v3 =	vld [tilespmem:s6+$0xE100];
	[tilespmem:s0+$0xC100] =	vst v4;
	s0 =	smov.u32 s6  }
0x18f: {  	v4 =	vld [tilespmem:s0+$0xC100];
	_ =	sdelay $0x4  }
0x190: {  	v3 =	vmul.f32 v3, v4;
	_ =	sdelay $0x1  }
0x191: {  	s19 =	rddreg [dreg:$0xa];
	[tilespmem:s0+$0xC100] =	vst v3  }
0x192: {  	[hbm4b:s19+s3] =	stream.linear.scatter [tilespmem:s17], [sflag:$0x2], $0x6000, $0x38;
	[tilespmem:$0x10100] =	vst v63  }
0x193: {  	_ =	swait.ge [sflag:s15], $0x6000  }
0x194: {  	[sflag:s15] =	ssyncset.done $0x0  }
0x195: {  	s20 =	rddreg [dreg:$0xb];
	[sflag:s15] =	ssyncadd.s32 $0xFFFFA000  }
0x196: {  	[hbm4b:s20+s3] =	stream.linear.scatter [tilespmem:s28], [sflag:$0x2], $0x2000, $0x38;
	[tilespmem:$0x10100] =	vst v63  }
0x197: {  	_ =	swait.ge [sflag:s15], $0x2000  }
0x198: {  	s30 =	sadd.s32 $0x1, s30;
	s31 =	rddreg [dreg:$0xc]  }
0x199: {  	p0 =	sne.s32 s30, s31  }
.Ltmp4:
0x19a: {  	_ = 	snop;
	(pc) =	sbr.rel @p0 .LBB2_1-.Ltmp4, $3  }
0x19b: {  	_ =	sdelay $0x1  }
0x19c: {  	[sflag:s15] =	ssyncset.done $0x0  }
0x19d: {  	[sflag:s15] =	ssyncadd.s32 $0xFFFFE000  }
0x19e: {  	_ =	sfence.sel $0x180000  }
0x19f: {  	[bflag:$0x0] =	sbarrier.arrive $0xFFFF  }
0x1a0: {  	_ =	strace $0x9000004A  }
0x1a1: {  	s0 =	stileid.u32;
	[bflag:$0x2] =	sbarrier.arrive $0xFFFF  }
0x1a2: {  	p0 =	sne.s32 s0, $0x0;
	s0 =	rddreg [dreg:$0x3]  }
0x1a3: {  	s0 =	sadd.s32 @!p0 $0x100000, s0  }
0x1a4: {  	[sflag:s0] =	ssyncadd.tile.s32 @!p0 $0x1;
	_ =	shalt  }
.Lfunc_end2:
_tile_overlayer_lowered:
.L_overlay_start_2:
0x1a5: {  	(tag) =	ssettag $0x2  }
0x1a6: {  	s0 =	rddreg [dreg:$0x0];
	s2 =	stileid.u32  }
0x1a7: {  	s1 =	rddreg [dreg:$0x1];
	p0 =	sne.s32 s2, $0x0  }
0x1a8: {  	s3 =	rddreg [dreg:$0x2];
	[bflag:$0x3] =	sbarrier.arrive $0xFFFF;
	s2 =	simm.s32 @!p0 $0x1C02  }
0x1a9: {  	[timem:s3], [sflag:s2] =	dma.local @!p0 [hbm:s0], s1  }
0x1aa: {  	s0 =	simm.s32 @!p0 $0x2  }
0x1ab: {  	_ =	swait.ge @!p0 [sflag:s0], s1  }
0x1ac: {  	s1 =	ssub.s32 @!p0 $0x0, s1;
	[sflag:s0] =	ssyncset.done @!p0 $0x0  }
0x1ad: {  	[sflag:s0] =	ssyncadd.s32 @!p0 s1  }
0x1ae: {  	[bflag:$0x3] =	sbarrier.arrive $0xFFFF  }
0x1af: {  	_ =	shalt  }

// kernel: scatter_offload_async_start
scs
__scs_entry_jumppad:
0x0: {  	(pc) =	sbr.rel $0x88, $3  }
0x1: {  	(tag) =	ssettag $0x0;
	lr =	simm.s32 $0x1  }
0x2: {  	[smem:$0x3F8F] =	sst lr;
	_ =	strace $0xD0000000  }
0x3: {  	_ = 	snop  }
0x4: {  	_ = 	snop  }
0x5: {  	_ = 	snop  }
0x6: {  	_ = 	snop  }
0x7: {  	_ = 	snop  }
__scs_overlays_trampoline_lowered:
0x8: {  	[smem:$0x3F9E] =	sst s0  }
0x9: {  	[smem:$0x3F9F] =	sst s1  }
0xa: {  	[smem:$0x3FA0] =	sst s2  }
0xb: {  	[smem:$0x3FA1] =	sst s3  }
0xc: {  	[smem:$0x3FA2] =	sst s4  }
0xd: {  	[smem:$0x3FA3] =	sst s5  }
0xe: {  	[smem:$0x3FA4] =	sst s6  }
0xf: {  	[smem:$0x3FA5] =	sst s7  }
0x10: {  	[smem:$0x3FA6] =	sst s8  }
0x11: {  	[smem:$0x3FA7] =	sst s9;
	s0 =	simm.s32 @!p0 $0x0  }
0x12: {  	s1 =	sld [smem:$0x3F8D];
	s0 =	simm.s32 @p0 $0x1  }
0x13: {  	[smem:$0x3FA8] =	sst s0;
	s0 =	simm.s32 @!p1 $0x0  }
0x14: {  	s2 =	sld [smem:$0x3F8C];
	s0 =	simm.s32 @p1 $0x1  }
0x15: {  	[smem:$0x3FA9] =	sst s0;
	s0 =	simm.s32 @!p2 $0x0  }
0x16: {  	s3 =	sld [smem:$0x3FDB];
	s0 =	simm.s32 @p2 $0x1  }
0x17: {  	s4 =	simm.s32 $0x1BF5;
	[smem:$0x3FAB] =	sst s0  }
0x18: {  	s0 =	sld [smem:$0x3F8E];
	_ =	swait.ge [sflag:s4], $0x0  }
0x19: {  	s7 =	sld [smem:$0x3F8F]  }
0x1a: {  	s8 =	sadd.s32 $0xFFFFE003, lr  }
0x1b: {  	s9 =	sadd.s32 $0xFFFFFEF7, lr;
	s5 =	simm.s32 $0xFFFFFFFF;
	p2 =	slt.u32 s8, $0xFFFFF086  }
0x1c: {  	p1 =	slt.u32 s9, $0xF7A;
	s5 =	simm.s32 @!p2 $0x0  }
0x1d: {  	s5 =	simm.s32 @p1 $0x1;
	p0 =	seq.s32 s7, s2  }
0x1e: {  	s7 =	smul.u32 @!p0 $0xF7A, s2;
	p2 =	seq.s32 @!p0 s5, $0x0  }
0x1f: {  	s9 =	smul.u32 $0xF7A, s1;
	s8 =	simm.s32 @!p0 $0x1BF5;
	p2 =	por !p2, p0  }
0x20: {  	[sflag:s8] =	ssyncset.s32 @!p0 $0xFFFFF086;
	s6 =	sadd.s32 @!p0 s3, s7;
	s7 =	simm.s32 @!p0 $0x108  }
0x21: {  	s3 =	sadd.s32 s3, s9;
	s6 =	sadd.s32 @!p0 $0x88, s6;
	s7 =	simm.s32 @p2 $0x1082  }
0x22: {  	[simem:s7], [sflag:s8] =	dma.local @!p0 [hbm:s6], $0xF7A  }
0x23: {  	s9 =	sor.u32 $0xD0000000, s2;
	s6 =	simm.s32 $0x108;
	_ =	swait.ge @!p0 [sflag:s8], $0x0  }
0x24: {  	s3 =	sadd.s32 $0x88, s3;
	s6 =	simm.s32 @!p1 $0x1082;
	[sflag:s4] =	ssyncset.s32 $0xFFFFF086  }
0x25: {  	[simem:s6], [sflag:s4] =	dma.local [hbm:s3], $0xF7A  }
0x26: {  	[smem:$0x3F8F] =	sst s1;
	(tag) =	ssettag s2;
	_ =	strace s9  }
0x27: {  	s1 =	sld [smem:$0x3F9F]  }
0x28: {  	s2 =	sld [smem:$0x3FA0]  }
0x29: {  	s4 =	sld [smem:$0x3FA2]  }
0x2a: {  	p0 =	seq.s32 s5, $0x0;
	s5 =	sld [smem:$0x3FA3]  }
0x2b: {  	s6 =	sld [smem:$0x3FA4]  }
0x2c: {  	s7 =	sld [smem:$0x3FA5]  }
0x2d: {  	s3 =	simm.s32 $0x108;
	s8 =	sld [smem:$0x3FA6]  }
0x2e: {  	s3 =	simm.s32 @!p0 $0x1082;
	s9 =	sld [smem:$0x3FA7]  }
0x2f: {  	lr =	sadd.s32 s0, s3;
	s0 =	sld [smem:$0x3F9E]  }
0x30: {  	s3 =	sld [smem:$0x3FA1]  }
0x31: {  	[smem:$0x3FAA] =	sst s10  }
0x32: {  	s10 =	sld [smem:$0x3FA8];
	_ =	sdelay $0x3  }
0x33: {  	p0 =	seq.s32 s10, $0x1;
	s10 =	sld [smem:$0x3FAA];
	_ =	sdelay $0x3  }
0x34: {  	[smem:$0x3FAA] =	sst s10  }
0x35: {  	s10 =	sld [smem:$0x3FA9];
	_ =	sdelay $0x3  }
0x36: {  	p1 =	seq.s32 s10, $0x1;
	s10 =	sld [smem:$0x3FAA];
	_ =	sdelay $0x3  }
0x37: {  	[smem:$0x3FAA] =	sst s10  }
0x38: {  	s10 =	sld [smem:$0x3FAB]  }
0x39: {  	_ = 	snop;
	(pc) =	sbr.ind lr, $3  }
0x3a: {  	_ = 	snop  }
0x3b: {  	_ = 	snop  }
0x3c: {  	p2 =	seq.s32 s10, $0x1;
	s10 =	sld [smem:$0x3FAA]  }
0x3d: {  	_ =	shalt  }
0x3e: {  	_ =	shalt  }
0x3f: {  	_ =	shalt  }
0x40: {  	_ =	shalt  }
0x41: {  	_ =	shalt  }
0x42: {  	_ =	shalt  }
0x43: {  	_ =	shalt  }
0x44: {  	_ =	shalt  }
0x45: {  	_ =	shalt  }
0x46: {  	_ =	shalt  }
0x47: {  	_ =	shalt  }
0x48: {  	_ =	shalt  }
0x49: {  	_ =	shalt  }
0x4a: {  	_ =	shalt  }
0x4b: {  	_ =	shalt  }
0x4c: {  	_ =	shalt  }
0x4d: {  	_ =	shalt  }
0x4e: {  	_ =	shalt  }
0x4f: {  	_ =	shalt  }
0x50: {  	_ =	shalt  }
0x51: {  	_ =	shalt  }
0x52: {  	_ =	shalt  }
0x53: {  	_ =	shalt  }
0x54: {  	_ =	shalt  }
0x55: {  	_ =	shalt  }
0x56: {  	_ =	shalt  }
0x57: {  	_ =	shalt  }
0x58: {  	_ =	shalt  }
0x59: {  	_ =	shalt  }
0x5a: {  	_ =	shalt  }
0x5b: {  	_ =	shalt  }
0x5c: {  	_ =	shalt  }
0x5d: {  	_ =	shalt  }
0x5e: {  	_ =	shalt  }
0x5f: {  	_ =	shalt  }
0x60: {  	_ =	shalt  }
0x61: {  	_ =	shalt  }
0x62: {  	_ =	shalt  }
0x63: {  	_ =	shalt  }
0x64: {  	_ =	shalt  }
0x65: {  	_ =	shalt  }
0x66: {  	_ =	shalt  }
0x67: {  	_ =	shalt  }
0x68: {  	_ =	shalt  }
0x69: {  	_ =	shalt  }
0x6a: {  	_ =	shalt  }
0x6b: {  	_ =	shalt  }
0x6c: {  	_ =	shalt  }
0x6d: {  	_ =	shalt  }
0x6e: {  	_ =	shalt  }
0x6f: {  	_ =	shalt  }
0x70: {  	_ =	shalt  }
0x71: {  	_ =	shalt  }
0x72: {  	_ =	shalt  }
0x73: {  	_ =	shalt  }
0x74: {  	_ =	shalt  }
0x75: {  	_ =	shalt  }
0x76: {  	_ =	shalt  }
0x77: {  	_ =	shalt  }
0x78: {  	_ =	shalt  }
0x79: {  	_ =	shalt  }
0x7a: {  	_ =	shalt  }
0x7b: {  	_ =	shalt  }
0x7c: {  	_ =	shalt  }
0x7d: {  	_ =	shalt  }
0x7e: {  	_ =	shalt  }
0x7f: {  	_ =	shalt  }
0x80: {  	_ =	shalt  }
0x81: {  	_ =	shalt  }
0x82: {  	_ =	shalt  }
0x83: {  	_ =	shalt  }
0x84: {  	_ =	shalt  }
0x85: {  	_ =	shalt  }
0x86: {  	_ =	shalt  }
0x87: {  	_ =	shalt  }
.Lfunc_end0:
.L_simem_size_0:
called_computation_lowered:
.L_overlay_start_0:
0x88: {  	s2 =	sld [smem:$0x3FD9]  }
0x89: {  	s3 =	sld [smem:$0x3FFE];
	_ =	sdelay $0x1  }
0x8a: {  	s1 =	srdreg.scid  }
0x8b: {  	s0 =	sand.u32 $0x1, s1  }
0x8c: {  	s16 =	sshll.u32 s0, $0xA;
	s2 =	sadd.s32 s3, s2  }
0x8d: {  	s2 =	sadd.s32 s2, s16  }
0x8e: {  	[smem:$0x3FB6] =	sst s2  }
0x8f: {  	_ = 	snop  }
0x90: {  	(tm) =	ssettm $0x1  }
0x91: {  	s17 =	sld [smem:$0x3FFB];
	_ =	sdelay $0x3  }
0x92: {  	_ =	strace s17  }
0x93: {  	s2 =	sld [smem:$0x3FFC];
	_ =	sdelay $0x3  }
0x94: {  	_ =	strace s2  }
0x95: {  	s2 =	sld [smem:$0x3FFD];
	_ =	sdelay $0x3  }
0x96: {  	_ =	strace s2  }
0x97: {  	_ =	strace $0x8FFFFFFF  }
0x98: {  	s18 =	sld [smem:$0x3FDB];
	_ =	sdelay $0x1  }
0x99: {  	s19 =	simm.s32 $_scs_section_size  }
0x9a: {  	s4 =	simm.s32 $_size__tile_overlayer_lowered;
	s5 =	simm.s32 $_tile_overlayer_lowered  }
0x9b: {  	s22 =	simm.s32 $0x1BFF;
	s21 =	sshll.u32 s5, $0x1;
	s2 =	sadd.s32 s19, s18  }
0x9c: {  	s6 =	simm.s32 $0x0;
	s20 =	sshll.u32 s4, $0x1;
	s4 =	sadd.s32 s21, s2  }
0x9d: {  	[timem:s6], [sflag:s22] =	dma.local [hbm:s4], s20  }
0x9e: {  	_ =	swait.ge [sflag:s22], s20  }
0x9f: {  	s3 =	ssub.s32 $0x0, s20;
	[sflag:s22] =	ssyncset.done $0x0  }
0xa0: {  	[sflag:s22] =	ssyncadd.s32 s3;
	_ =	sdelay $0x1  }
0xa1: {  	s23 =	simm.s32 $0x1B8B  }
0xa2: {  	_ =	swait.ge [sflag:s23], $0x1  }
0xa3: {  	[sflag:s23] =	ssyncset.done $0x0  }
0xa4: {  	s25 =	simm.s32 $0x1B8E;
	s24 =	sld [smem:$0x3FFE];
	[sflag:s23] =	ssyncadd.s32 $0xFFFFFFFF  }
0xa5: {  	s26 =	simm.s32 $execute0_lowered;
	[smem:$0x3FD2] =	sst s25  }
0xa6: {  	s4 =	sshll.u32 s26, $0x1;
	_ =	strace $0x80000046;
	[dreg:$0x1] =	wrdreg $0xFFFFFFFF  }
0xa7: {  	s28 =	simm.s32 $_size_execute0_lowered;
	s2 =	sadd.s32 s2, s4;
	[dreg:$0x0] =	wrdreg $0x0  }
0xa8: {  	s4 =	sshll.u32 s28, $0x1;
	[dreg:$0x2] =	wrdreg s2  }
0xa9: {  	[dreg:$0x3] =	wrdreg s4  }
0xaa: {  	[dreg:$0x4] =	wrdreg $0xC0  }
0xab: {  	_ =	task [dreg:s6], $0x5FFFF  }
0xac: {  	[dreg:$0x1] =	wrdreg $0xFFFFFFFF  }
0xad: {  	[dreg:$0x0] =	wrdreg $0x60  }
0xae: {  	[dreg:$0x2] =	wrdreg s24  }
0xaf: {  	[dreg:$0x3] =	wrdreg s1  }
0xb0: {  	[dreg:$0x4] =	wrdreg $0x9  }
0xb1: {  	_ =	task.clear_ibuf [dreg:s6], $0x5FFFF;
	_ =	strace $0x90000046  }
0xb2: {  	s29 =	simm.s32 $0x9;
	_ =	strace $0x80000048  }
0xb3: {  	_ =	swait.ge [sflag:s29], $0x1  }
0xb4: {  	[sflag:s29] =	ssyncadd.s32 $0xFFFFFFFF  }
0xb5: {  	_ =	strace $0x90000048  }
0xb6: {  	_ =	sfence  }
0xb7: {  	s30 =	sld [smem:$0x0];
	_ =	sdelay $0x2  }
0xb8: {  	s31 =	sshll.u32 s1, $0xD;
	s1 =	sshrl.u32 s1, $0x2  }
0xb9: {  	s3 =	sand.u32 $0x4000, s31;
	s1 =	sadd.s32 s1, s30  }
0xba: {  	s0 =	sor.u32 s3, s0;
	s1 =	sshll.u32 s1, $0x11  }
0xbb: {  	s0 =	sor.u32 s1, s0  }
0xbc: {  	s0 =	sadd.s32 $0x8F2B, s0  }
0xbd: {  	[sflag:s0] =	ssyncadd.remote.s32 $0x1  }
0xbe: {  	_ =	sfence.sel $0xFFFF  }
0xbf: {  	[dreg:$0x0] =	wrdreg $0xFFFFFFFF;
	(pc) =	sbr.abs _section_cstart, $3  }
0xc0: {  	[dreg:$0x1] =	wrdreg $0xFFFFFFFF  }
0xc1: {  	_ =	task.clear_ibuf [dreg:s6], $0x2FFFF;
	_ =	strace $0x9FFFFFFF  }
0xc2: {  	(tm) =	ssettm $0x7FFFFFFF  }
0xc3: {  	_ =	shalt  }
tec
execute0_lowered:
.L_overlay_start_1:
0x0: {  	(tag) =	ssettag $0x1  }
0x1: {  	s6 =	rddreg [dreg:$0x0]  }
0x2: {  	s1 =	rddreg [dreg:$0x1]  }
0x3: {  	s0 =	rddreg [dreg:$0x2];
	_ =	strace $0x80000047  }
0x4: {  	s9 =	simm.s32 $0x1D4C00;
	s4 =	simm.s32 $0x3E;
	s1 =	sand.u32 $0x1, s1  }
0x5: {  	s3 =	stileid.u32;
	[sflag:s4] =	ssyncpa.u1 $0x0;
	p0 =	seq.s32 s1, $0x1  }
0x6: {  	s28 =	smul.u32 $0x7, s3;
	s9 =	simm.s32 @!p0 $0x0;
	p0 =	sne.s32 s3, $0x0  }
0x7: {  	s29 =	smin.u32 s3, $0xD;
	s1 =	sadd.s32 $0x15A00, s6;
	s2 =	sshrl.u32 @!p0 s9, $0x3  }
0x8: {  	s5 =	simm.s32 @!p0 $0x0;
	s1 =	sadd.s32 @!p0 s2, s1;
	s2 =	simm.s32 @!p0 $0x1C3E  }
0x9: {  	[spmem:s5], [sflag:s2] =	dma.local @!p0 [hbm:s1], $0x3A980  }
0xa: {  	s2 =	sadd.s32 s29, s28  }
0xb: {  	p1 =	slt.u32 s3, $0xD;
	s3 =	simm.s32 $0x5000;
	s2 =	smul.u32 $0xA00, s2  }
0xc: {  	s3 =	simm.s32 @!p1 $0x4600  }
0xd: {  	s3 =	sadd.s32 s3, s2  }
0xe: {  	s3 =	smin.u32 s3, $0x4E200  }
0xf: {  	s8 =	ssub.s32 s3, s2  }
0x10: {  	p1 =	sgt.s32 s8, $0x0  }
0x11: {  	s8 =	simm.s32 @!p1 $0x0  }
0x12: {  	s5 =	simm.s32 @!p0 $0x3E;
	s30 =	smulhi.u32 $0x66666667, s8  }
0x13: {  	s7 =	simm.s32 $0x2;
	_ =	swait.ge @!p0 [sflag:s5], $0x3A980  }
0x14: {  	s31 =	sadd.s32 $0x1D4C00, s9;
	[sflag:s5] =	ssyncset.done @!p0 $0x0;
	s10 =	sshrl.u32 s30, $0xA  }
0x15: {  	v0 =	vmov s9;
	s9 =	simm.s32 $0x0;
	[sflag:s5] =	ssyncadd.s32 @!p0 $0xFFFC5680;
	s11 =	smul.u32 $0xA00, s10  }
.Ltmp0:
0x16: {  	s5 =	sadd.s32 $0xBC00, s6;
	[bflag:$0x0] =	sbarrier.arrive $0xFFFF;
	(pc) =	sbr.rel .LBB2_1-.Ltmp0, $4  }
0x17: {  	s6 =	sadd.s32 $0x1E00, s6;
	[sflag:s4] =	ssyncpa.u1 $0x1;
	s4 =	simm.s32 $0x1  }
0x18: {  	[sflag:s4] =	ssyncpa.u1 $0x0;
	p1 =	sne.s32 s8, s11;
	s8 =	simm.s32 $0x1  }
0x19: {  	(ifvalue) =	ssetifvalue $0x1D4C00;
	[sflag:s7] =	ssyncpa.u1 $0x0;
	s8 =	simm.s32 @!p1 $0x0  }
0x1a: {  	vm0 =	vmmov $0xffff;
	v1 =	vmov s31;
	s11 =	simm.s32 $0x0;
	s8 =	sadd.s32 s8, s10;
	s10 =	smov.u32 s2  }
.LBB2_5:
0x1b: {  	p2 =	sne.s32 s11, s8  }
.Ltmp1:
0x1c: {  	_ = 	snop;
	(pc) =	sbr.rel @!p2 .LBB2_6-.Ltmp1, $4  }
0x1d: {  	_ = 	snop  }
0x1e: {  	s12 =	sadd.s32 $0xA00, s10  }
0x1f: {  	s10 =	smov.u32 s2;
	s13 =	sadd.s32 $0x1, s11;
	p1 =	slt.s32 s12, s3  }
0x20: {  	s11 =	smov.u32 s13;
	s10 =	smov.u32 @p1 s12  }
.LBB2_1:
0x21: {  	p1 =	sge.u32 s11, s8  }
0x22: {  	s12 =	sxor.u32 @!p1 $0xFFFFFFFF, s11  }
0x23: {  	s12 =	sand.u32 @!p1 $0x1, s12  }
0x24: {  	s12 =	smul.u32 @!p1 $0xA00, s12  }
0x25: {  	s13 =	sshrl.u32 @!p1 s10, $0x3  }
0x26: {  	s16 =	sand.u32 @!p1 $0x7, s10;
	s14 =	sadd.s32 @!p1 s5, s13;
	s15 =	sadd.s32 @!p1 $0x1D4C0, s12  }
0x27: {  	[tilespmem:s15], [sflag:$0x2] =	stream.linear.gather @!p1 [hbm4b:s14+s16], $0xA00, $0x38;
	[tilespmem:$0x1FCC0] =	vst v63  }
0x28: {  	s13 =	sadd.s32 @!p1 s6, s13;
	s12 =	sadd.s32 @!p1 $0x1E8C0, s12  }
0x29: {  	[tilespmem:s12], [sflag:$0x2] =	stream.linear.gather @!p1 [hbm4b:s13+s16], $0xA00, $0x38;
	[tilespmem:$0x1FCC0] =	vst v63  }
0x2a: {  	p1 =	seq.s32 s11, $0x0  }
.Ltmp2:
0x2b: {  	_ = 	snop;
	(pc) =	sbr.rel @p1 .LBB2_5-.Ltmp2, $1  }
0x2c: {  	_ =	sdelay $0x3  }
0x2d: {  	s12 =	sand.u32 $0x1, s11  }
0x2e: {  	_ =	swait.ge [sflag:s7], $0x1400;
	p1 =	seq.s32 s12, $0x1;
	s12 =	simm.s32 $0xA00  }
0x2f: {  	[sflag:s7] =	ssyncset.done $0x0;
	s12 =	simm.s32 @!p1 $0x0  }
0x30: {  	[sflag:s7] =	ssyncadd.s32 $0xFFFFEC00;
	s14 =	sor.u32 $0x1D4C0, s12  }
0x31: {  	v2 =	vld.msk [tilespmem:s14+$0x0 ss:$0x1], $0xffff;
	_ =	sdelay $0x4  }
0x32: {  	vm1 =	vge.s32 v2, v0;
	vm2 =	vlt.s32 v2, v1  }
0x33: {  	v2 =	vsub.s32 v2, v0;
	vm1 =	vmand vm1, vm2  }
0x34: {  	v2 =	vnsel vm1, $0x1D4C00, v2;
	_ =	sdelay $0x3  }
0x35: {  	s13 =	simm.s32 $0x0;
	s12 =	sadd.s32 $0x1E8C0, s12;
	s14 =	sadd.s32 $0x10, s14  }
0x36: {  	[spmem:s9] =	stream.indirect_vreg.scatter.add.s32 [tilespmem:s12], [sflag:$0x1], $0x1, v2, vm0, $0x4038;
	[tilespmem:$0x1FCC0] =	vst v63  }
.LBB2_3:
0x37: {  	v2 =	vld.msk [tilespmem:s14+$0x0 ss:$0x1], $0xffff;
	s13 =	sadd.s32 $0x10, s13  }
0x38: {  	p1 =	slt.u32 s13, $0x9F0;
	_ =	sdelay $0x4  }
0x39: {  	vm1 =	vge.s32 v2, v0;
	vm2 =	vlt.s32 v2, v1  }
0x3a: {  	v2 =	vsub.s32 v2, v0;
	vm1 =	vmand vm1, vm2  }
0x3b: {  	v2 =	vnsel vm1, $0x1D4C00, v2  }
.Ltmp3:
0x3c: {  	(pc) =	sbr.rel @p1 .LBB2_3-.Ltmp3, $3  }
0x3d: {  	_ =	sdelay $0x1  }
0x3e: {  	s14 =	sadd.s32 $0x10, s14;
	s12 =	sadd.s32 $0x10, s12  }
0x3f: {  	[spmem:s9] =	stream.indirect_vreg.scatter.add.s32 [tilespmem:s12], [sflag:$0x1], $0x1, v2, vm0, $0x4038;
	[tilespmem:$0x1FCC0] =	vst v63  }
.Ltmp4:
0x40: {  	(pc) =	sbr.rel .LBB2_5-.Ltmp4, $4  }
0x41: {  	_ = 	snop  }
0x42: {  	_ =	swait.ge [sflag:s4], $0xA00  }
0x43: {  	[sflag:s4] =	ssyncset.done $0x0  }
0x44: {  	[sflag:s4] =	ssyncadd.s32 $0xFFFFF600  }
.LBB2_6:
0x45: {  	_ =	sfence.sel $0x180000  }
0x46: {  	s2 =	simm.s32 $0x2;
	[bflag:$0x0] =	sbarrier.arrive $0xFFFF  }
0x47: {  	s30 =	simm.s32 $0x1;
	[sflag:s2] =	ssyncpa.u1 $0x1  }
0x48: {  	[sflag:s30] =	ssyncpa.u1 $0x1  }
0x49: {  	_ =	sfence.stream.spmem  }
0x4a: {  	s31 =	simm.s32 $0x3D;
	[bflag:$0x0] =	sbarrier.arrive $0xFFFF  }
0x4b: {  	s2 =	simm.s32 @p0 $0x3D;
	[sflag:s31] =	ssyncpa.u1 $0x0  }
0x4c: {  	[sflag:s2] =	ssyncpa.u1 @p0 $0x1  }
0x4d: {  	[bflag:$0x0] =	sbarrier.arrive @p0 $0xFFFF  }
0x4e: {  	_ =	strace @p0 $0x90000047  }
0x4f: {  	s3 =	simm.s32 @!p0 $0x1C3D;
	s2 =	simm.s32 @!p0 $0x0;
	[bflag:$0x2] =	sbarrier.arrive @p0 $0xFFFF  }
0x50: {  	[hbm:s1], [sflag:s3] =	dma.local @!p0 [spmem:s2], $0x3A980  }
0x51: {  	s1 =	simm.s32 @!p0 $0x3D  }
0x52: {  	_ =	swait.ge @!p0 [sflag:s1], $0x3A980  }
0x53: {  	[sflag:s1] =	ssyncset.done @!p0 $0x0  }
0x54: {  	[sflag:s1] =	ssyncadd.s32 @!p0 $0xFFFC5680  }
0x55: {  	[sflag:s1] =	ssyncpa.u1 @!p0 $0x1  }
0x56: {  	[bflag:$0x0] =	sbarrier.arrive @!p0 $0xFFFF  }
0x57: {  	_ =	strace @!p0 $0x90000047  }
0x58: {  	s0 =	sadd.s32 @!p0 $0x100000, s0;
	[bflag:$0x2] =	sbarrier.arrive @!p0 $0xFFFF  }
0x59: {  	[sflag:s0] =	ssyncadd.tile.s32 @!p0 $0x1;
	_ =	shalt  }
.Lfunc_end2:
_tile_overlayer_lowered:
.L_overlay_start_2:
0x5a: {  	(tag) =	ssettag $0x2  }
0x5b: {  	s0 =	rddreg [dreg:$0x0];
	s2 =	stileid.u32  }
0x5c: {  	s1 =	rddreg [dreg:$0x1];
	p0 =	sne.s32 s2, $0x0  }
0x5d: {  	s3 =	rddreg [dreg:$0x2];
	[bflag:$0x3] =	sbarrier.arrive $0xFFFF;
	s2 =	simm.s32 @!p0 $0x1C01  }
0x5e: {  	[timem:s3], [sflag:s2] =	dma.local @!p0 [hbm:s0], s1  }
0x5f: {  	s0 =	simm.s32 @!p0 $0x1  }
0x60: {  	_ =	swait.ge @!p0 [sflag:s0], s1  }
0x61: {  	s1 =	ssub.s32 @!p0 $0x0, s1;
	[sflag:s0] =	ssyncset.done @!p0 $0x0  }
0x62: {  	[sflag:s0] =	ssyncadd.s32 @!p0 s1  }
0x63: {  	[bflag:$0x3] =	sbarrier.arrive $0xFFFF  }
0x64: {  	_ =	shalt  }

</sc_bundles>
